<compile_context>
chip_gen: v7x
topology: tpu7x:2x2x1
jax: 0.10.2.dev20260603
libtpu: 0.0.44.dev20260713+nightly
codegen_flags: <defaults>
</compile_context>

<pallas_src>
import jax
import jax.numpy as jnp
from jax import lax
from jax.experimental import pallas as pl
from jax.experimental.pallas import tpu as pltpu
from jax.experimental.pallas import tpu_sc as plsc

N = 10000
E = 320000
D = 128
NDIV = 9
NHEADS = 2
K = NHEADS * NDIV
NB = 400
NBLK = N // NB
NPAD = 10240
RP = NPAD // 16
EP = E // 16
CH = 100
NCH = EP // CH
IB = 40
NIB = NCH // IB


def _msg_body(f_ref, n_ref, w_ref, col_ref, rel_ref, o_ref, gi_ref):
    feat = f_ref[...] * n_ref[...]
    for j in range(K):
        o_ref[j] = jnp.dot(feat, w_ref[j], preferred_element_type=jnp.float32)
    g = rel_ref[...] * N + col_ref[...]
    gi_ref[0] = g
    gi_ref[1] = g + NDIV * N


def _sc_body(mtab, gidx, rowi, out,
             g0_v, g1_v, s0_v, s1_v, rows0_v, rows1_v, acc,
             sem0, sem1, semi0, semi1):
    h = lax.axis_index("c")
    s = lax.axis_index("s")
    gbase = (h * 16 + s) * NCH
    sbase = s * NCH
    gbufs = (g0_v, g1_v)
    sbufs = (s0_v, s1_v)
    isems = (semi0, semi1)

    def idx_load(b, par):
        c0 = pltpu.async_copy(gidx.at[pl.ds(gbase + b * IB, IB)], gbufs[par],
                              isems[par])
        c1 = pltpu.async_copy(rowi.at[pl.ds(sbase + b * IB, IB)], sbufs[par],
                              isems[par])
        return c0, c1

    ld = idx_load(0, 0)

    def zrow(i, _):
        for j in range(D // 16):
            rows0_v[i, pl.ds(j * 16, 16)] = jnp.zeros((16,), jnp.float32)
        return 0
    lax.fori_loop(0, CH, zrow, 0)

    ZC = 96
    def zcopy(k0, _):
        pltpu.sync_copy(rows0_v.at[pl.ds(0, ZC)],
                        acc.at[pl.ds(s * RP + k0 * ZC, ZC)])
        return 0
    lax.fori_loop(0, RP // ZC, zcopy, 0)
    pltpu.sync_copy(rows0_v.at[pl.ds(0, RP % ZC)],
                    acc.at[pl.ds(s * RP + (RP // ZC) * ZC, RP % ZC)])
    plsc.subcore_barrier()

    for b in range(NIB):
        par = b % 2
        gv, sv = gbufs[par], sbufs[par]
        ld[0].wait()
        ld[1].wait()
        if b + 1 < NIB:
            ld = idx_load(b + 1, 1 - par)
        pltpu.async_copy(mtab.at[gv.at[0]], rows0_v, sem0)

        def pair(p, _):
            ci = p * 2
            pltpu.make_async_copy(mtab.at[gv.at[ci]], rows0_v, sem0).wait()
            pltpu.async_copy(mtab.at[gv.at[ci + 1]], rows1_v, sem1)
            pltpu.sync_copy(rows0_v, acc.at[sv.at[ci]], add=True)
            pltpu.make_async_copy(mtab.at[gv.at[ci + 1]], rows1_v, sem1).wait()

            @pl.when(ci + 2 < IB)
            def _():
                pltpu.async_copy(mtab.at[gv.at[ci + 2]], rows0_v, sem0)
            pltpu.sync_copy(rows1_v, acc.at[sv.at[ci + 1]], add=True)
            return 0
        lax.fori_loop(0, IB // 2, pair, 0)
    plsc.subcore_barrier()

    pltpu.sync_copy(acc.at[pl.ds(s * RP, RP)],
                    out.at[pl.ds(h * NPAD + s * RP, RP)])


def _final_body(a_ref, n_ref, o_ref):
    a = a_ref[...]
    nrm = n_ref[...] * (1.0 / NDIV)
    o_ref[...] = 0.5 * (jnp.maximum(a[0] * nrm, 0.0) + jnp.maximum(a[1] * nrm, 0.0))


def kernel(features, norm, W, edge_index, edge_relation):
    row = edge_index[0].astype(jnp.int32)
    col = edge_index[1].astype(jnp.int32)
    rel = edge_relation.astype(jnp.int32)

    mtab, gidx = pl.pallas_call(
        _msg_body,
        grid=(NBLK,),
        in_specs=[
            pl.BlockSpec((NB, D), lambda i: (i, 0)),
            pl.BlockSpec((NB, 1), lambda i: (i, 0)),
            pl.BlockSpec((K, D, D), lambda i: (0, 0, 0)),
            pl.BlockSpec((E // D, D), lambda i: (0, 0)),
            pl.BlockSpec((E // D, D), lambda i: (0, 0)),
        ],
        out_specs=[
            pl.BlockSpec((K, NB, D), lambda i: (0, i, 0)),
            pl.BlockSpec((2, E // D, D), lambda i: (0, 0, 0)),
        ],
        out_shape=[
            jax.ShapeDtypeStruct((K, N, D), jnp.float32),
            jax.ShapeDtypeStruct((2, E // D, D), jnp.int32),
        ],
    )(features, norm, W.reshape(K, D, D),
      col.reshape(E // D, D), rel.reshape(E // D, D))

    mesh = plsc.VectorSubcoreMesh(core_axis_name="c", subcore_axis_name="s")
    acc = pl.kernel(
        _sc_body,
        out_type=jax.ShapeDtypeStruct((NHEADS * NPAD, D), jnp.float32),
        mesh=mesh,
        scratch_types=[
            pltpu.VMEM((IB, CH), jnp.int32),
            pltpu.VMEM((IB, CH), jnp.int32),
            pltpu.VMEM((IB, CH), jnp.int32),
            pltpu.VMEM((IB, CH), jnp.int32),
            pltpu.VMEM((CH, D), jnp.float32),
            pltpu.VMEM((CH, D), jnp.float32),
            pltpu.VMEM_SHARED((NPAD, D), jnp.float32),
            pltpu.SemaphoreType.DMA,
            pltpu.SemaphoreType.DMA,
            pltpu.SemaphoreType.DMA,
            pltpu.SemaphoreType.DMA,
        ],
    )(mtab.reshape(K * N, D), gidx.reshape(NHEADS * E // CH, CH),
      row.reshape(E // CH, CH))

    out = pl.pallas_call(
        _final_body,
        grid=(NBLK,),
        in_specs=[
            pl.BlockSpec((NHEADS, NB, D), lambda i: (0, i, 0)),
            pl.BlockSpec((NB, 1), lambda i: (i, 0)),
        ],
        out_specs=pl.BlockSpec((NB, D), lambda i: (i, 0)),
        out_shape=jax.ShapeDtypeStruct((N, D), jnp.float32),
    )(acc.reshape(NHEADS, NPAD, D), norm)
    return out

# --- scband reference (transcript-rebuilt; emitter-appended) ---
"""Pipeline reference for scband-geom-gcn-layer-89361089560784 (READ-ONLY COPY).

The authoritative reference and input builder live on the scoring server;
editing this copy changes nothing except your own understanding.
"""

import jax, jax.numpy as jnp
import numpy as np

N = 10000
E = 320000
D_IN = 128
D_OUT = 128
NDIV = 9
NHEADS = 2


def setup_inputs(seed: int = 0) -> dict:
    key = jax.random.key(seed)
    k1, k2, k3, k4, k5 = jax.random.split(key, 5)
    features = jax.random.normal(k1, (N, D_IN), dtype=jnp.float32)
    norm = jax.random.uniform(k2, (N, 1), dtype=jnp.float32)
    edge_index = jax.random.randint(k3, (2, E), 0, N)
    edge_relation = jax.random.randint(k4, (E,), 0, NDIV)
    # one linear weight per (head, division), xavier-uniform-like init
    limit = float(np.sqrt(6.0 / (D_IN + D_OUT)))
    W = jax.random.uniform(k5, (NHEADS, NDIV, D_IN, D_OUT), dtype=jnp.float32, minval=-limit, maxval=limit)
    return {"features": features, "norm": norm, "W": W, "edge_index": edge_index, "edge_relation": edge_relation}


def reference(features, norm, W, edge_index, edge_relation):
    # dropout_prob = 0.0 -> dropout is identity (eval semantics)
    feat = (features * norm).astype(jnp.float32)
    row = edge_index[0]  # sparse adj row indices (output nodes)
    col = edge_index[1]  # sparse adj col indices (source nodes)
    head_results = []
    for h in range(NHEADS):
        div_results = []
        for d in range(NDIV):
            # linear_per_division[h * NDIV + d](features)
            msg = feat @ W[h, d]
            # torch.sparse.mm(adj_d, msg): out[row] += msg[col] for edges of relation d
            vals = (edge_relation == d).astype(jnp.float32)[:, None]
            gathered = jnp.take(msg, col, axis=0) * vals
            agg = jax.ops.segment_sum(gathered, row, num_segments=N)
            div_results.append(agg)
        # merge_method == 'mean'
        aggregated = jnp.mean(jnp.stack(div_results, axis=-1), axis=-1)
        head_results.append(jax.nn.relu(aggregated * norm))
    result_final = jnp.mean(jnp.stack(head_results, axis=0), axis=0)
    return result_final

if __name__ == "__main__":
    import jax
    _d = setup_inputs()
    print(jax.jit(kernel)(*tuple(_d.values())))

</pallas_src>

<mosaic_0001>
#map = affine_map<(d0, d1) -> (0, 0)>
module attributes {stable_mosaic.version = 14 : i64} {
  func.func @_sc_body(%arg0: i32, %arg1: i32, %arg2: memref<180000x128xf32, #tpu.memory_space<hbm>>, %arg3: memref<6400x100xi32, #tpu.memory_space<hbm>>, %arg4: memref<3200x100xi32, #tpu.memory_space<hbm>>, %arg5: memref<20480x128xf32, #tpu.memory_space<hbm>>, %arg6: memref<40x100xi32, #tpu.memory_space<vmem>>, %arg7: memref<40x100xi32, #tpu.memory_space<vmem>>, %arg8: memref<40x100xi32, #tpu.memory_space<vmem>>, %arg9: memref<40x100xi32, #tpu.memory_space<vmem>>, %arg10: memref<100x128xf32, #tpu.memory_space<vmem>>, %arg11: memref<100x128xf32, #tpu.memory_space<vmem>>, %arg12: memref<10240x128xf32, #tpu.memory_space<vmem_shared>>, %arg13: memref<!tpu.dma_semaphore, #tpu.memory_space<semaphore_mem>>, %arg14: memref<!tpu.dma_semaphore, #tpu.memory_space<semaphore_mem>>, %arg15: memref<!tpu.dma_semaphore, #tpu.memory_space<semaphore_mem>>, %arg16: memref<!tpu.dma_semaphore, #tpu.memory_space<semaphore_mem>>) attributes {dimension_semantics = [#tpu.dimension_semantics<core_parallel>, #tpu.dimension_semantics<subcore_parallel>], iteration_bounds = array<i64: 2, 16>, scalar_prefetch = 0 : i64, scratch_operands = 11 : i64, tpu.core_type = #tpu.core_type<sc_vector_subcore>, window_params = [{transform_indices = #map}, {transform_indices = #map}, {transform_indices = #map}, {transform_indices = #map}]} {
    %mul3A = arith.constant 16 : i32
    %mul3A_0 = arith.muli %arg0, %mul3A : i32
    %add3A = arith.addi %mul3A_0, %arg1 : i32
    %mul3A_1 = arith.constant 200 : i32
    %mul3A_2 = arith.muli %add3A, %mul3A_1 : i32
    %mul3A_3 = arith.constant 200 : i32
    %mul3A_4 = arith.muli %arg1, %mul3A_3 : i32
    %add3A_5 = arith.constant 0 : i32
    %add3A_6 = arith.addi %mul3A_2, %add3A_5 : i32
    %dma_start3A = arith.constant 0 : i32
    %dma_start3A_7 = tpu.memref_slice %arg3[%add3A_6, %dma_start3A] : memref<6400x100xi32, #tpu.memory_space<hbm>> -> memref<40x100xi32, #tpu.memory_space<hbm>>
    %dma_start3A_8 = arith.constant 0 : i32
    %dma_start3A_9 = tpu.memref_slice %arg3[%add3A_6, %dma_start3A_8] : memref<6400x100xi32, #tpu.memory_space<hbm>> -> memref<40x100xi32, #tpu.memory_space<hbm>>
    tpu.enqueue_dma source(%dma_start3A_9 : memref<40x100xi32, #tpu.memory_space<hbm>>) target(%arg6 : memref<40x100xi32, #tpu.memory_space<vmem>>) target_semaphore(%arg15 : memref<!tpu.dma_semaphore, #tpu.memory_space<semaphore_mem>>)
    %add3A_10 = arith.constant 0 : i32
    %add3A_11 = arith.addi %mul3A_4, %add3A_10 : i32
    %dma_start3A_12 = arith.constant 0 : i32
    %dma_start3A_13 = tpu.memref_slice %arg4[%add3A_11, %dma_start3A_12] : memref<3200x100xi32, #tpu.memory_space<hbm>> -> memref<40x100xi32, #tpu.memory_space<hbm>>
    %dma_start3A_14 = arith.constant 0 : i32
    %dma_start3A_15 = tpu.memref_slice %arg4[%add3A_11, %dma_start3A_14] : memref<3200x100xi32, #tpu.memory_space<hbm>> -> memref<40x100xi32, #tpu.memory_space<hbm>>
    tpu.enqueue_dma source(%dma_start3A_15 : memref<40x100xi32, #tpu.memory_space<hbm>>) target(%arg8 : memref<40x100xi32, #tpu.memory_space<vmem>>) target_semaphore(%arg15 : memref<!tpu.dma_semaphore, #tpu.memory_space<semaphore_mem>>)
    %scan3A = arith.constant 0 : i32
    %scan3A_16 = arith.constant 0 : i32
    %scan3A_17 = arith.constant 100 : i32
    %scan3A_18 = arith.addi %scan3A_16, %scan3A_17 : i32
    %scan3A_19 = arith.constant 1 : i32
    %scan3A_20 = scf.for %scan3A_198 = %scan3A_16 to %scan3A_18 step %scan3A_19 iter_args(%scan3A_199 = %scan3A) -> (i32)  : i32 {
      %broadcast_in_dim3A = arith.constant 0.000000e+00 : f32
      %broadcast_in_dim3A_200 = vector.broadcast %broadcast_in_dim3A : f32 to vector<16xf32>
      %swap3A = arith.index_cast %scan3A_198 : i32 to index
      %swap3A_201 = arith.constant 0 : index
      %swap3A_202 = tpu.vector_load %arg10[%swap3A, %swap3A_201] {strides = array<i32>} : memref<100x128xf32, #tpu.memory_space<vmem>>, vector<1x16xf32>,
      %swap3A_203 = vector.shape_cast %swap3A_202 : vector<1x16xf32> to vector<16xf32>
      %swap3A_204 = vector.shape_cast %broadcast_in_dim3A_200 : vector<16xf32> to vector<1x16xf32>
      tpu.vector_store %arg10[%swap3A, %swap3A_201], %swap3A_204 {strides = array<i32>} : memref<100x128xf32, #tpu.memory_space<vmem>>, vector<1x16xf32>,
      %broadcast_in_dim3A_205 = arith.constant 0.000000e+00 : f32
      %broadcast_in_dim3A_206 = vector.broadcast %broadcast_in_dim3A_205 : f32 to vector<16xf32>
      %swap3A_207 = arith.index_cast %scan3A_198 : i32 to index
      %swap3A_208 = arith.constant 16 : index
      %swap3A_209 = tpu.vector_load %arg10[%swap3A_207, %swap3A_208] {strides = array<i32>} : memref<100x128xf32, #tpu.memory_space<vmem>>, vector<1x16xf32>,
      %swap3A_210 = vector.shape_cast %swap3A_209 : vector<1x16xf32> to vector<16xf32>
      %swap3A_211 = vector.shape_cast %broadcast_in_dim3A_206 : vector<16xf32> to vector<1x16xf32>
      tpu.vector_store %arg10[%swap3A_207, %swap3A_208], %swap3A_211 {strides = array<i32>} : memref<100x128xf32, #tpu.memory_space<vmem>>, vector<1x16xf32>,
      %broadcast_in_dim3A_212 = arith.constant 0.000000e+00 : f32
      %broadcast_in_dim3A_213 = vector.broadcast %broadcast_in_dim3A_212 : f32 to vector<16xf32>
      %swap3A_214 = arith.index_cast %scan3A_198 : i32 to index
      %swap3A_215 = arith.constant 32 : index
      %swap3A_216 = tpu.vector_load %arg10[%swap3A_214, %swap3A_215] {strides = array<i32>} : memref<100x128xf32, #tpu.memory_space<vmem>>, vector<1x16xf32>,
      %swap3A_217 = vector.shape_cast %swap3A_216 : vector<1x16xf32> to vector<16xf32>
      %swap3A_218 = vector.shape_cast %broadcast_in_dim3A_213 : vector<16xf32> to vector<1x16xf32>
      tpu.vector_store %arg10[%swap3A_214, %swap3A_215], %swap3A_218 {strides = array<i32>} : memref<100x128xf32, #tpu.memory_space<vmem>>, vector<1x16xf32>,
      %broadcast_in_dim3A_219 = arith.constant 0.000000e+00 : f32
      %broadcast_in_dim3A_220 = vector.broadcast %broadcast_in_dim3A_219 : f32 to vector<16xf32>
      %swap3A_221 = arith.index_cast %scan3A_198 : i32 to index
      %swap3A_222 = arith.constant 48 : index
      %swap3A_223 = tpu.vector_load %arg10[%swap3A_221, %swap3A_222] {strides = array<i32>} : memref<100x128xf32, #tpu.memory_space<vmem>>, vector<1x16xf32>,
      %swap3A_224 = vector.shape_cast %swap3A_223 : vector<1x16xf32> to vector<16xf32>
      %swap3A_225 = vector.shape_cast %broadcast_in_dim3A_220 : vector<16xf32> to vector<1x16xf32>
      tpu.vector_store %arg10[%swap3A_221, %swap3A_222], %swap3A_225 {strides = array<i32>} : memref<100x128xf32, #tpu.memory_space<vmem>>, vector<1x16xf32>,
      %broadcast_in_dim3A_226 = arith.constant 0.000000e+00 : f32
      %broadcast_in_dim3A_227 = vector.broadcast %broadcast_in_dim3A_226 : f32 to vector<16xf32>
      %swap3A_228 = arith.index_cast %scan3A_198 : i32 to index
      %swap3A_229 = arith.constant 64 : index
      %swap3A_230 = tpu.vector_load %arg10[%swap3A_228, %swap3A_229] {strides = array<i32>} : memref<100x128xf32, #tpu.memory_space<vmem>>, vector<1x16xf32>,
      %swap3A_231 = vector.shape_cast %swap3A_230 : vector<1x16xf32> to vector<16xf32>
      %swap3A_232 = vector.shape_cast %broadcast_in_dim3A_227 : vector<16xf32> to vector<1x16xf32>
      tpu.vector_store %arg10[%swap3A_228, %swap3A_229], %swap3A_232 {strides = array<i32>} : memref<100x128xf32, #tpu.memory_space<vmem>>, vector<1x16xf32>,
      %broadcast_in_dim3A_233 = arith.constant 0.000000e+00 : f32
      %broadcast_in_dim3A_234 = vector.broadcast %broadcast_in_dim3A_233 : f32 to vector<16xf32>
      %swap3A_235 = arith.index_cast %scan3A_198 : i32 to index
      %swap3A_236 = arith.constant 80 : index
      %swap3A_237 = tpu.vector_load %arg10[%swap3A_235, %swap3A_236] {strides = array<i32>} : memref<100x128xf32, #tpu.memory_space<vmem>>, vector<1x16xf32>,
      %swap3A_238 = vector.shape_cast %swap3A_237 : vector<1x16xf32> to vector<16xf32>
      %swap3A_239 = vector.shape_cast %broadcast_in_dim3A_234 : vector<16xf32> to vector<1x16xf32>
      tpu.vector_store %arg10[%swap3A_235, %swap3A_236], %swap3A_239 {strides = array<i32>} : memref<100x128xf32, #tpu.memory_space<vmem>>, vector<1x16xf32>,
      %broadcast_in_dim3A_240 = arith.constant 0.000000e+00 : f32
      %broadcast_in_dim3A_241 = vector.broadcast %broadcast_in_dim3A_240 : f32 to vector<16xf32>
      %swap3A_242 = arith.index_cast %scan3A_198 : i32 to index
      %swap3A_243 = arith.constant 96 : index
      %swap3A_244 = tpu.vector_load %arg10[%swap3A_242, %swap3A_243] {strides = array<i32>} : memref<100x128xf32, #tpu.memory_space<vmem>>, vector<1x16xf32>,
      %swap3A_245 = vector.shape_cast %swap3A_244 : vector<1x16xf32> to vector<16xf32>
      %swap3A_246 = vector.shape_cast %broadcast_in_dim3A_241 : vector<16xf32> to vector<1x16xf32>
      tpu.vector_store %arg10[%swap3A_242, %swap3A_243], %swap3A_246 {strides = array<i32>} : memref<100x128xf32, #tpu.memory_space<vmem>>, vector<1x16xf32>,
      %broadcast_in_dim3A_247 = arith.constant 0.000000e+00 : f32
      %broadcast_in_dim3A_248 = vector.broadcast %broadcast_in_dim3A_247 : f32 to vector<16xf32>
      %swap3A_249 = arith.index_cast %scan3A_198 : i32 to index
      %swap3A_250 = arith.constant 112 : index
      %swap3A_251 = tpu.vector_load %arg10[%swap3A_249, %swap3A_250] {strides = array<i32>} : memref<100x128xf32, #tpu.memory_space<vmem>>, vector<1x16xf32>,
      %swap3A_252 = vector.shape_cast %swap3A_251 : vector<1x16xf32> to vector<16xf32>
      %swap3A_253 = vector.shape_cast %broadcast_in_dim3A_248 : vector<16xf32> to vector<1x16xf32>
      tpu.vector_store %arg10[%swap3A_249, %swap3A_250], %swap3A_253 {strides = array<i32>} : memref<100x128xf32, #tpu.memory_space<vmem>>, vector<1x16xf32>,
      %scan3A_254 = arith.constant 0 : i32
      scf.yield %scan3A_254 : i32
    }
    %scan3A_21 = arith.constant 100 : i32
    %scan3A_22 = arith.constant 0 : i32
    %scan3A_23 = arith.constant 0 : i32
    %scan3A_24 = arith.constant 6 : i32
    %scan3A_25 = arith.addi %scan3A_23, %scan3A_24 : i32
    %scan3A_26 = arith.constant 1 : i32
    %scan3A_27 = scf.for %scan3A_198 = %scan3A_23 to %scan3A_25 step %scan3A_26 iter_args(%scan3A_199 = %scan3A_22) -> (i32)  : i32 {
      %mul3A_200 = arith.constant 640 : i32
      %mul3A_201 = arith.muli %arg1, %mul3A_200 : i32
      %mul3A_202 = arith.constant 96 : i32
      %mul3A_203 = arith.muli %scan3A_198, %mul3A_202 : i32
      %add3A_204 = arith.addi %mul3A_201, %mul3A_203 : i32
      "tpu.region"() ({
        %run_scoped3A = tpu.sem_alloc : memref<!tpu.dma_semaphore, #tpu.memory_space<semaphore_mem>>
        %dma_start3A_206 = arith.constant 0 : i32
        %dma_start3A_207 = arith.constant 0 : i32
        %dma_start3A_208 = tpu.memref_slice %arg10[%dma_start3A_206, %dma_start3A_207] : memref<100x128xf32, #tpu.memory_space<vmem>> -> memref<96x128xf32, #tpu.memory_space<vmem>>
        %dma_start3A_209 = arith.constant 0 : i32
        %dma_start3A_210 = tpu.memref_slice %arg12[%add3A_204, %dma_start3A_209] : memref<10240x128xf32, #tpu.memory_space<vmem_shared>> -> memref<96x128xf32, #tpu.memory_space<vmem_shared>>
        %dma_start3A_211 = arith.constant 0 : i32
        %dma_start3A_212 = tpu.memref_slice %arg12[%add3A_204, %dma_start3A_211] : memref<10240x128xf32, #tpu.memory_space<vmem_shared>> -> memref<96x128xf32, #tpu.memory_space<vmem_shared>>
        %dma_start3A_213 = arith.constant 0 : i32
        %dma_start3A_214 = arith.constant 0 : i32
        %dma_start3A_215 = tpu.memref_slice %arg10[%dma_start3A_213, %dma_start3A_214] : memref<100x128xf32, #tpu.memory_space<vmem>> -> memref<96x128xf32, #tpu.memory_space<vmem>>
        tpu.enqueue_dma source(%dma_start3A_215 : memref<96x128xf32, #tpu.memory_space<vmem>>) target(%dma_start3A_212 : memref<96x128xf32, #tpu.memory_space<vmem_shared>>) target_semaphore(%run_scoped3A : memref<!tpu.dma_semaphore, #tpu.memory_space<semaphore_mem>>)
        %dma_wait3A_216 = arith.constant 0 : i32
        %dma_wait3A_217 = arith.constant 0 : i32
        %dma_wait3A_218 = tpu.memref_slice %arg10[%dma_wait3A_216, %dma_wait3A_217] : memref<100x128xf32, #tpu.memory_space<vmem>> -> memref<96x128xf32, #tpu.memory_space<vmem>>
        %dma_wait3A_219 = arith.constant 0 : i32
        %dma_wait3A_220 = tpu.memref_slice %arg12[%add3A_204, %dma_wait3A_219] : memref<10240x128xf32, #tpu.memory_space<vmem_shared>> -> memref<96x128xf32, #tpu.memory_space<vmem_shared>>
        %dma_wait3A_221 = arith.constant 0 : i32
        %dma_wait3A_222 = tpu.memref_slice %arg12[%add3A_204, %dma_wait3A_221] : memref<10240x128xf32, #tpu.memory_space<vmem_shared>> -> memref<96x128xf32, #tpu.memory_space<vmem_shared>>
        %dma_wait3A_223 = arith.constant 0 : i32
        %dma_wait3A_224 = arith.constant 0 : i32
        %dma_wait3A_225 = tpu.memref_slice %arg10[%dma_wait3A_223, %dma_wait3A_224] : memref<100x128xf32, #tpu.memory_space<vmem>> -> memref<96x128xf32, #tpu.memory_space<vmem>>
        tpu.wait_dma2 semaphore(%run_scoped3A : memref<!tpu.dma_semaphore, #tpu.memory_space<semaphore_mem>>) src(%dma_wait3A_225 : memref<96x128xf32, #tpu.memory_space<vmem>>) dst(%dma_wait3A_222 : memref<96x128xf32, #tpu.memory_space<vmem_shared>>)
        tpu.yield
      }) : () -> ()
      %scan3A_205 = arith.constant 0 : i32
      scf.yield %scan3A_205 : i32
    }
    %scan3A_28 = arith.constant 6 : i32
    %mul3A_29 = arith.constant 640 : i32
    %mul3A_30 = arith.muli %arg1, %mul3A_29 : i32
    %add3A_31 = arith.constant 576 : i32
    %add3A_32 = arith.addi %mul3A_30, %add3A_31 : i32
    "tpu.region"() ({
      %run_scoped3A = tpu.sem_alloc : memref<!tpu.dma_semaphore, #tpu.memory_space<semaphore_mem>>
      %dma_start3A_198 = arith.constant 0 : i32
      %dma_start3A_199 = arith.constant 0 : i32
      %dma_start3A_200 = tpu.memref_slice %arg10[%dma_start3A_198, %dma_start3A_199] : memref<100x128xf32, #tpu.memory_space<vmem>> -> memref<64x128xf32, #tpu.memory_space<vmem>>
      %dma_start3A_201 = arith.constant 0 : i32
      %dma_start3A_202 = tpu.memref_slice %arg12[%add3A_32, %dma_start3A_201] : memref<10240x128xf32, #tpu.memory_space<vmem_shared>> -> memref<64x128xf32, #tpu.memory_space<vmem_shared>>
      %dma_start3A_203 = arith.constant 0 : i32
      %dma_start3A_204 = tpu.memref_slice %arg12[%add3A_32, %dma_start3A_203] : memref<10240x128xf32, #tpu.memory_space<vmem_shared>> -> memref<64x128xf32, #tpu.memory_space<vmem_shared>>
      %dma_start3A_205 = arith.constant 0 : i32
      %dma_start3A_206 = arith.constant 0 : i32
      %dma_start3A_207 = tpu.memref_slice %arg10[%dma_start3A_205, %dma_start3A_206] : memref<100x128xf32, #tpu.memory_space<vmem>> -> memref<64x128xf32, #tpu.memory_space<vmem>>
      tpu.enqueue_dma source(%dma_start3A_207 : memref<64x128xf32, #tpu.memory_space<vmem>>) target(%dma_start3A_204 : memref<64x128xf32, #tpu.memory_space<vmem_shared>>) target_semaphore(%run_scoped3A : memref<!tpu.dma_semaphore, #tpu.memory_space<semaphore_mem>>)
      %dma_wait3A_208 = arith.constant 0 : i32
      %dma_wait3A_209 = arith.constant 0 : i32
      %dma_wait3A_210 = tpu.memref_slice %arg10[%dma_wait3A_208, %dma_wait3A_209] : memref<100x128xf32, #tpu.memory_space<vmem>> -> memref<64x128xf32, #tpu.memory_space<vmem>>
      %dma_wait3A_211 = arith.constant 0 : i32
      %dma_wait3A_212 = tpu.memref_slice %arg12[%add3A_32, %dma_wait3A_211] : memref<10240x128xf32, #tpu.memory_space<vmem_shared>> -> memref<64x128xf32, #tpu.memory_space<vmem_shared>>
      %dma_wait3A_213 = arith.constant 0 : i32
      %dma_wait3A_214 = tpu.memref_slice %arg12[%add3A_32, %dma_wait3A_213] : memref<10240x128xf32, #tpu.memory_space<vmem_shared>> -> memref<64x128xf32, #tpu.memory_space<vmem_shared>>
      %dma_wait3A_215 = arith.constant 0 : i32
      %dma_wait3A_216 = arith.constant 0 : i32
      %dma_wait3A_217 = tpu.memref_slice %arg10[%dma_wait3A_215, %dma_wait3A_216] : memref<100x128xf32, #tpu.memory_space<vmem>> -> memref<64x128xf32, #tpu.memory_space<vmem>>
      tpu.wait_dma2 semaphore(%run_scoped3A : memref<!tpu.dma_semaphore, #tpu.memory_space<semaphore_mem>>) src(%dma_wait3A_217 : memref<64x128xf32, #tpu.memory_space<vmem>>) dst(%dma_wait3A_214 : memref<64x128xf32, #tpu.memory_space<vmem_shared>>)
      tpu.yield
    }) : () -> ()
    %barrier3A = arith.constant 0 : index
    tpu.barrier barrier_id(%barrier3A)
    %dma_wait3A = arith.constant 0 : i32
    %dma_wait3A_33 = tpu.memref_slice %arg3[%add3A_6, %dma_wait3A] : memref<6400x100xi32, #tpu.memory_space<hbm>> -> memref<40x100xi32, #tpu.memory_space<hbm>>
    %dma_wait3A_34 = arith.constant 0 : i32
    %dma_wait3A_35 = tpu.memref_slice %arg3[%add3A_6, %dma_wait3A_34] : memref<6400x100xi32, #tpu.memory_space<hbm>> -> memref<40x100xi32, #tpu.memory_space<hbm>>
    tpu.wait_dma2 semaphore(%arg15 : memref<!tpu.dma_semaphore, #tpu.memory_space<semaphore_mem>>) src(%dma_wait3A_35 : memref<40x100xi32, #tpu.memory_space<hbm>>) dst(%arg6 : memref<40x100xi32, #tpu.memory_space<vmem>>)
    %dma_wait3A_36 = arith.constant 0 : i32
    %dma_wait3A_37 = tpu.memref_slice %arg4[%add3A_11, %dma_wait3A_36] : memref<3200x100xi32, #tpu.memory_space<hbm>> -> memref<40x100xi32, #tpu.memory_space<hbm>>
    %dma_wait3A_38 = arith.constant 0 : i32
    %dma_wait3A_39 = tpu.memref_slice %arg4[%add3A_11, %dma_wait3A_38] : memref<3200x100xi32, #tpu.memory_space<hbm>> -> memref<40x100xi32, #tpu.memory_space<hbm>>
    tpu.wait_dma2 semaphore(%arg15 : memref<!tpu.dma_semaphore, #tpu.memory_space<semaphore_mem>>) src(%dma_wait3A_39 : memref<40x100xi32, #tpu.memory_space<hbm>>) dst(%arg8 : memref<40x100xi32, #tpu.memory_space<vmem>>)
    %add3A_40 = arith.constant 40 : i32
    %add3A_41 = arith.addi %mul3A_2, %add3A_40 : i32
    %dma_start3A_42 = arith.constant 0 : i32
    %dma_start3A_43 = tpu.memref_slice %arg3[%add3A_41, %dma_start3A_42] : memref<6400x100xi32, #tpu.memory_space<hbm>> -> memref<40x100xi32, #tpu.memory_space<hbm>>
    %dma_start3A_44 = arith.constant 0 : i32
    %dma_start3A_45 = tpu.memref_slice %arg3[%add3A_41, %dma_start3A_44] : memref<6400x100xi32, #tpu.memory_space<hbm>> -> memref<40x100xi32, #tpu.memory_space<hbm>>
    tpu.enqueue_dma source(%dma_start3A_45 : memref<40x100xi32, #tpu.memory_space<hbm>>) target(%arg7 : memref<40x100xi32, #tpu.memory_space<vmem>>) target_semaphore(%arg16 : memref<!tpu.dma_semaphore, #tpu.memory_space<semaphore_mem>>)
    %add3A_46 = arith.constant 40 : i32
    %add3A_47 = arith.addi %mul3A_4, %add3A_46 : i32
    %dma_start3A_48 = arith.constant 0 : i32
    %dma_start3A_49 = tpu.memref_slice %arg4[%add3A_47, %dma_start3A_48] : memref<3200x100xi32, #tpu.memory_space<hbm>> -> memref<40x100xi32, #tpu.memory_space<hbm>>
    %dma_start3A_50 = arith.constant 0 : i32
    %dma_start3A_51 = tpu.memref_slice %arg4[%add3A_47, %dma_start3A_50] : memref<3200x100xi32, #tpu.memory_space<hbm>> -> memref<40x100xi32, #tpu.memory_space<hbm>>
    tpu.enqueue_dma source(%dma_start3A_51 : memref<40x100xi32, #tpu.memory_space<hbm>>) target(%arg9 : memref<40x100xi32, #tpu.memory_space<vmem>>) target_semaphore(%arg16 : memref<!tpu.dma_semaphore, #tpu.memory_space<semaphore_mem>>)
    %dma_start3A_52 = arith.constant 0 : i32
    %dma_start3A_53 = arith.constant 0 : i32
    %dma_start3A_54 = tpu.memref_slice %arg6[%dma_start3A_52, %dma_start3A_53] : memref<40x100xi32, #tpu.memory_space<vmem>> -> memref<1x100xi32, #tpu.memory_space<vmem>>
    %dma_start3A_55 = tpu.memref_squeeze %dma_start3A_54 : memref<1x100xi32, #tpu.memory_space<vmem>> -> memref<100xi32, #tpu.memory_space<vmem>>
    %dma_start3A_56 = arith.constant 0 : i32
    %dma_start3A_57 = arith.constant 0 : i32
    %dma_start3A_58 = tpu.memref_slice %arg2[%dma_start3A_56, %dma_start3A_57] : memref<180000x128xf32, #tpu.memory_space<hbm>> -> memref<180000x128xf32, #tpu.memory_space<hbm>>
    tpu.enqueue_indirect_dma source(%dma_start3A_58 : memref<180000x128xf32, #tpu.memory_space<hbm>>) target(%arg10 : memref<100x128xf32, #tpu.memory_space<vmem>>) offsets(%dma_start3A_55 : memref<100xi32, #tpu.memory_space<vmem>>) semaphore(%arg13 : memref<!tpu.dma_semaphore, #tpu.memory_space<semaphore_mem>>)
    %scan3A_59 = arith.constant 0 : i32
    %scan3A_60 = arith.constant 0 : i32
    %scan3A_61 = arith.constant 20 : i32
    %scan3A_62 = arith.addi %scan3A_60, %scan3A_61 : i32
    %scan3A_63 = arith.constant 1 : i32
    %scan3A_64 = scf.for %scan3A_198 = %scan3A_60 to %scan3A_62 step %scan3A_63 iter_args(%scan3A_199 = %scan3A_59) -> (i32)  : i32 {
      %mul3A_200 = arith.constant 2 : i32
      %mul3A_201 = arith.muli %scan3A_198, %mul3A_200 : i32
      %dma_wait3A_202 = arith.constant 0 : i32
      %dma_wait3A_203 = tpu.memref_slice %arg6[%mul3A_201, %dma_wait3A_202] : memref<40x100xi32, #tpu.memory_space<vmem>> -> memref<1x100xi32, #tpu.memory_space<vmem>>
      %dma_wait3A_204 = tpu.memref_squeeze %dma_wait3A_203 : memref<1x100xi32, #tpu.memory_space<vmem>> -> memref<100xi32, #tpu.memory_space<vmem>>
      %dma_wait3A_205 = arith.constant 0 : i32
      %dma_wait3A_206 = arith.constant 0 : i32
      %dma_wait3A_207 = tpu.memref_slice %arg2[%dma_wait3A_205, %dma_wait3A_206] : memref<180000x128xf32, #tpu.memory_space<hbm>> -> memref<180000x128xf32, #tpu.memory_space<hbm>>
      tpu.wait_indirect_dma semaphore(%arg13 : memref<!tpu.dma_semaphore, #tpu.memory_space<semaphore_mem>>) src(%dma_wait3A_207 : memref<180000x128xf32, #tpu.memory_space<hbm>>) dst(%arg10 : memref<100x128xf32, #tpu.memory_space<vmem>>)
      %add3A_208 = arith.constant 1 : i32
      %add3A_209 = arith.addi %mul3A_201, %add3A_208 : i32
      %dma_start3A_210 = arith.constant 0 : i32
      %dma_start3A_211 = tpu.memref_slice %arg6[%add3A_209, %dma_start3A_210] : memref<40x100xi32, #tpu.memory_space<vmem>> -> memref<1x100xi32, #tpu.memory_space<vmem>>
      %dma_start3A_212 = tpu.memref_squeeze %dma_start3A_211 : memref<1x100xi32, #tpu.memory_space<vmem>> -> memref<100xi32, #tpu.memory_space<vmem>>
      %dma_start3A_213 = arith.constant 0 : i32
      %dma_start3A_214 = arith.constant 0 : i32
      %dma_start3A_215 = tpu.memref_slice %arg2[%dma_start3A_213, %dma_start3A_214] : memref<180000x128xf32, #tpu.memory_space<hbm>> -> memref<180000x128xf32, #tpu.memory_space<hbm>>
      tpu.enqueue_indirect_dma source(%dma_start3A_215 : memref<180000x128xf32, #tpu.memory_space<hbm>>) target(%arg11 : memref<100x128xf32, #tpu.memory_space<vmem>>) offsets(%dma_start3A_212 : memref<100xi32, #tpu.memory_space<vmem>>) semaphore(%arg14 : memref<!tpu.dma_semaphore, #tpu.memory_space<semaphore_mem>>)
      "tpu.region"() ({
        %run_scoped3A = tpu.sem_alloc : memref<!tpu.dma_semaphore, #tpu.memory_space<semaphore_mem>>
        %dma_start3A_231 = arith.constant 0 : i32
        %dma_start3A_232 = tpu.memref_slice %arg8[%mul3A_201, %dma_start3A_231] : memref<40x100xi32, #tpu.memory_space<vmem>> -> memref<1x100xi32, #tpu.memory_space<vmem>>
        %dma_start3A_233 = tpu.memref_squeeze %dma_start3A_232 : memref<1x100xi32, #tpu.memory_space<vmem>> -> memref<100xi32, #tpu.memory_space<vmem>>
        %dma_start3A_234 = arith.constant 0 : i32
        %dma_start3A_235 = arith.constant 0 : i32
        %dma_start3A_236 = tpu.memref_slice %arg12[%dma_start3A_234, %dma_start3A_235] : memref<10240x128xf32, #tpu.memory_space<vmem_shared>> -> memref<10240x128xf32, #tpu.memory_space<vmem_shared>>
        tpu.enqueue_indirect_dma source(%arg10 : memref<100x128xf32, #tpu.memory_space<vmem>>) target(%dma_start3A_236 : memref<10240x128xf32, #tpu.memory_space<vmem_shared>>) offsets(%dma_start3A_233 : memref<100xi32, #tpu.memory_space<vmem>>) semaphore(%run_scoped3A : memref<!tpu.dma_semaphore, #tpu.memory_space<semaphore_mem>>) {add = true}
        %dma_wait3A_237 = arith.constant 0 : i32
        %dma_wait3A_238 = tpu.memref_slice %arg8[%mul3A_201, %dma_wait3A_237] : memref<40x100xi32, #tpu.memory_space<vmem>> -> memref<1x100xi32, #tpu.memory_space<vmem>>
        %dma_wait3A_239 = tpu.memref_squeeze %dma_wait3A_238 : memref<1x100xi32, #tpu.memory_space<vmem>> -> memref<100xi32, #tpu.memory_space<vmem>>
        %dma_wait3A_240 = arith.constant 0 : i32
        %dma_wait3A_241 = arith.constant 0 : i32
        %dma_wait3A_242 = tpu.memref_slice %arg12[%dma_wait3A_240, %dma_wait3A_241] : memref<10240x128xf32, #tpu.memory_space<vmem_shared>> -> memref<10240x128xf32, #tpu.memory_space<vmem_shared>>
        tpu.wait_indirect_dma semaphore(%run_scoped3A : memref<!tpu.dma_semaphore, #tpu.memory_space<semaphore_mem>>) src(%arg10 : memref<100x128xf32, #tpu.memory_space<vmem>>) dst(%dma_wait3A_242 : memref<10240x128xf32, #tpu.memory_space<vmem_shared>>)
        tpu.yield
      }) : () -> ()
      %add3A_216 = arith.constant 1 : i32
      %add3A_217 = arith.addi %mul3A_201, %add3A_216 : i32
      %dma_wait3A_218 = arith.constant 0 : i32
      %dma_wait3A_219 = tpu.memref_slice %arg6[%add3A_217, %dma_wait3A_218] : memref<40x100xi32, #tpu.memory_space<vmem>> -> memref<1x100xi32, #tpu.memory_space<vmem>>
      %dma_wait3A_220 = tpu.memref_squeeze %dma_wait3A_219 : memref<1x100xi32, #tpu.memory_space<vmem>> -> memref<100xi32, #tpu.memory_space<vmem>>
      %dma_wait3A_221 = arith.constant 0 : i32
      %dma_wait3A_222 = arith.constant 0 : i32
      %dma_wait3A_223 = tpu.memref_slice %arg2[%dma_wait3A_221, %dma_wait3A_222] : memref<180000x128xf32, #tpu.memory_space<hbm>> -> memref<180000x128xf32, #tpu.memory_space<hbm>>
      tpu.wait_indirect_dma semaphore(%arg14 : memref<!tpu.dma_semaphore, #tpu.memory_space<semaphore_mem>>) src(%dma_wait3A_223 : memref<180000x128xf32, #tpu.memory_space<hbm>>) dst(%arg11 : memref<100x128xf32, #tpu.memory_space<vmem>>)
      %add3A_224 = arith.constant 2 : i32
      %add3A_225 = arith.addi %mul3A_201, %add3A_224 : i32
      %lt3A = arith.constant 40 : i32
      %lt3A_226 = arith.cmpi slt, %add3A_225, %lt3A : i32
      %convert_element_type3A = arith.extui %lt3A_226 : i1 to i32
      %cond3A = arith.constant 0 : i32
      %cond3A_227 = arith.cmpi ne, %convert_element_type3A, %cond3A : i32
      scf.if %cond3A_227 {
        %add3A_231 = arith.constant 2 : i32
        %add3A_232 = arith.addi %mul3A_201, %add3A_231 : i32
        %dma_start3A_233 = arith.constant 0 : i32
        %dma_start3A_234 = tpu.memref_slice %arg6[%add3A_232, %dma_start3A_233] : memref<40x100xi32, #tpu.memory_space<vmem>> -> memref<1x100xi32, #tpu.memory_space<vmem>>
        %dma_start3A_235 = tpu.memref_squeeze %dma_start3A_234 : memref<1x100xi32, #tpu.memory_space<vmem>> -> memref<100xi32, #tpu.memory_space<vmem>>
        %dma_start3A_236 = arith.constant 0 : i32
        %dma_start3A_237 = arith.constant 0 : i32
        %dma_start3A_238 = tpu.memref_slice %arg2[%dma_start3A_236, %dma_start3A_237] : memref<180000x128xf32, #tpu.memory_space<hbm>> -> memref<180000x128xf32, #tpu.memory_space<hbm>>
        tpu.enqueue_indirect_dma source(%dma_start3A_238 : memref<180000x128xf32, #tpu.memory_space<hbm>>) target(%arg10 : memref<100x128xf32, #tpu.memory_space<vmem>>) offsets(%dma_start3A_235 : memref<100xi32, #tpu.memory_space<vmem>>) semaphore(%arg13 : memref<!tpu.dma_semaphore, #tpu.memory_space<semaphore_mem>>)
      } else {
      }
      %add3A_228 = arith.constant 1 : i32
      %add3A_229 = arith.addi %mul3A_201, %add3A_228 : i32
      "tpu.region"() ({
        %run_scoped3A = tpu.sem_alloc : memref<!tpu.dma_semaphore, #tpu.memory_space<semaphore_mem>>
        %dma_start3A_231 = arith.constant 0 : i32
        %dma_start3A_232 = tpu.memref_slice %arg8[%add3A_229, %dma_start3A_231] : memref<40x100xi32, #tpu.memory_space<vmem>> -> memref<1x100xi32, #tpu.memory_space<vmem>>
        %dma_start3A_233 = tpu.memref_squeeze %dma_start3A_232 : memref<1x100xi32, #tpu.memory_space<vmem>> -> memref<100xi32, #tpu.memory_space<vmem>>
        %dma_start3A_234 = arith.constant 0 : i32
        %dma_start3A_235 = arith.constant 0 : i32
        %dma_start3A_236 = tpu.memref_slice %arg12[%dma_start3A_234, %dma_start3A_235] : memref<10240x128xf32, #tpu.memory_space<vmem_shared>> -> memref<10240x128xf32, #tpu.memory_space<vmem_shared>>
        tpu.enqueue_indirect_dma source(%arg11 : memref<100x128xf32, #tpu.memory_space<vmem>>) target(%dma_start3A_236 : memref<10240x128xf32, #tpu.memory_space<vmem_shared>>) offsets(%dma_start3A_233 : memref<100xi32, #tpu.memory_space<vmem>>) semaphore(%run_scoped3A : memref<!tpu.dma_semaphore, #tpu.memory_space<semaphore_mem>>) {add = true}
        %dma_wait3A_237 = arith.constant 0 : i32
        %dma_wait3A_238 = tpu.memref_slice %arg8[%add3A_229, %dma_wait3A_237] : memref<40x100xi32, #tpu.memory_space<vmem>> -> memref<1x100xi32, #tpu.memory_space<vmem>>
        %dma_wait3A_239 = tpu.memref_squeeze %dma_wait3A_238 : memref<1x100xi32, #tpu.memory_space<vmem>> -> memref<100xi32, #tpu.memory_space<vmem>>
        %dma_wait3A_240 = arith.constant 0 : i32
        %dma_wait3A_241 = arith.constant 0 : i32
        %dma_wait3A_242 = tpu.memref_slice %arg12[%dma_wait3A_240, %dma_wait3A_241] : memref<10240x128xf32, #tpu.memory_space<vmem_shared>> -> memref<10240x128xf32, #tpu.memory_space<vmem_shared>>
        tpu.wait_indirect_dma semaphore(%run_scoped3A : memref<!tpu.dma_semaphore, #tpu.memory_space<semaphore_mem>>) src(%arg11 : memref<100x128xf32, #tpu.memory_space<vmem>>) dst(%dma_wait3A_242 : memref<10240x128xf32, #tpu.memory_space<vmem_shared>>)
        tpu.yield
      }) : () -> ()
      %scan3A_230 = arith.constant 0 : i32
      scf.yield %scan3A_230 : i32
    }
    %scan3A_65 = arith.constant 20 : i32
    %dma_wait3A_66 = arith.constant 0 : i32
    %dma_wait3A_67 = tpu.memref_slice %arg3[%add3A_41, %dma_wait3A_66] : memref<6400x100xi32, #tpu.memory_space<hbm>> -> memref<40x100xi32, #tpu.memory_space<hbm>>
    %dma_wait3A_68 = arith.constant 0 : i32
    %dma_wait3A_69 = tpu.memref_slice %arg3[%add3A_41, %dma_wait3A_68] : memref<6400x100xi32, #tpu.memory_space<hbm>> -> memref<40x100xi32, #tpu.memory_space<hbm>>
    tpu.wait_dma2 semaphore(%arg16 : memref<!tpu.dma_semaphore, #tpu.memory_space<semaphore_mem>>) src(%dma_wait3A_69 : memref<40x100xi32, #tpu.memory_space<hbm>>) dst(%arg7 : memref<40x100xi32, #tpu.memory_space<vmem>>)
    %dma_wait3A_70 = arith.constant 0 : i32
    %dma_wait3A_71 = tpu.memref_slice %arg4[%add3A_47, %dma_wait3A_70] : memref<3200x100xi32, #tpu.memory_space<hbm>> -> memref<40x100xi32, #tpu.memory_space<hbm>>
    %dma_wait3A_72 = arith.constant 0 : i32
    %dma_wait3A_73 = tpu.memref_slice %arg4[%add3A_47, %dma_wait3A_72] : memref<3200x100xi32, #tpu.memory_space<hbm>> -> memref<40x100xi32, #tpu.memory_space<hbm>>
    tpu.wait_dma2 semaphore(%arg16 : memref<!tpu.dma_semaphore, #tpu.memory_space<semaphore_mem>>) src(%dma_wait3A_73 : memref<40x100xi32, #tpu.memory_space<hbm>>) dst(%arg9 : memref<40x100xi32, #tpu.memory_space<vmem>>)
    %add3A_74 = arith.constant 80 : i32
    %add3A_75 = arith.addi %mul3A_2, %add3A_74 : i32
    %dma_start3A_76 = arith.constant 0 : i32
    %dma_start3A_77 = tpu.memref_slice %arg3[%add3A_75, %dma_start3A_76] : memref<6400x100xi32, #tpu.memory_space<hbm>> -> memref<40x100xi32, #tpu.memory_space<hbm>>
    %dma_start3A_78 = arith.constant 0 : i32
    %dma_start3A_79 = tpu.memref_slice %arg3[%add3A_75, %dma_start3A_78] : memref<6400x100xi32, #tpu.memory_space<hbm>> -> memref<40x100xi32, #tpu.memory_space<hbm>>
    tpu.enqueue_dma source(%dma_start3A_79 : memref<40x100xi32, #tpu.memory_space<hbm>>) target(%arg6 : memref<40x100xi32, #tpu.memory_space<vmem>>) target_semaphore(%arg15 : memref<!tpu.dma_semaphore, #tpu.memory_space<semaphore_mem>>)
    %add3A_80 = arith.constant 80 : i32
    %add3A_81 = arith.addi %mul3A_4, %add3A_80 : i32
    %dma_start3A_82 = arith.constant 0 : i32
    %dma_start3A_83 = tpu.memref_slice %arg4[%add3A_81, %dma_start3A_82] : memref<3200x100xi32, #tpu.memory_space<hbm>> -> memref<40x100xi32, #tpu.memory_space<hbm>>
    %dma_start3A_84 = arith.constant 0 : i32
    %dma_start3A_85 = tpu.memref_slice %arg4[%add3A_81, %dma_start3A_84] : memref<3200x100xi32, #tpu.memory_space<hbm>> -> memref<40x100xi32, #tpu.memory_space<hbm>>
    tpu.enqueue_dma source(%dma_start3A_85 : memref<40x100xi32, #tpu.memory_space<hbm>>) target(%arg8 : memref<40x100xi32, #tpu.memory_space<vmem>>) target_semaphore(%arg15 : memref<!tpu.dma_semaphore, #tpu.memory_space<semaphore_mem>>)
    %dma_start3A_86 = arith.constant 0 : i32
    %dma_start3A_87 = arith.constant 0 : i32
    %dma_start3A_88 = tpu.memref_slice %arg7[%dma_start3A_86, %dma_start3A_87] : memref<40x100xi32, #tpu.memory_space<vmem>> -> memref<1x100xi32, #tpu.memory_space<vmem>>
    %dma_start3A_89 = tpu.memref_squeeze %dma_start3A_88 : memref<1x100xi32, #tpu.memory_space<vmem>> -> memref<100xi32, #tpu.memory_space<vmem>>
    %dma_start3A_90 = arith.constant 0 : i32
    %dma_start3A_91 = arith.constant 0 : i32
    %dma_start3A_92 = tpu.memref_slice %arg2[%dma_start3A_90, %dma_start3A_91] : memref<180000x128xf32, #tpu.memory_space<hbm>> -> memref<180000x128xf32, #tpu.memory_space<hbm>>
    tpu.enqueue_indirect_dma source(%dma_start3A_92 : memref<180000x128xf32, #tpu.memory_space<hbm>>) target(%arg10 : memref<100x128xf32, #tpu.memory_space<vmem>>) offsets(%dma_start3A_89 : memref<100xi32, #tpu.memory_space<vmem>>) semaphore(%arg13 : memref<!tpu.dma_semaphore, #tpu.memory_space<semaphore_mem>>)
    %scan3A_93 = arith.constant 0 : i32
    %scan3A_94 = arith.constant 0 : i32
    %scan3A_95 = arith.constant 20 : i32
    %scan3A_96 = arith.addi %scan3A_94, %scan3A_95 : i32
    %scan3A_97 = arith.constant 1 : i32
    %scan3A_98 = scf.for %scan3A_198 = %scan3A_94 to %scan3A_96 step %scan3A_97 iter_args(%scan3A_199 = %scan3A_93) -> (i32)  : i32 {
      %mul3A_200 = arith.constant 2 : i32
      %mul3A_201 = arith.muli %scan3A_198, %mul3A_200 : i32
      %dma_wait3A_202 = arith.constant 0 : i32
      %dma_wait3A_203 = tpu.memref_slice %arg7[%mul3A_201, %dma_wait3A_202] : memref<40x100xi32, #tpu.memory_space<vmem>> -> memref<1x100xi32, #tpu.memory_space<vmem>>
      %dma_wait3A_204 = tpu.memref_squeeze %dma_wait3A_203 : memref<1x100xi32, #tpu.memory_space<vmem>> -> memref<100xi32, #tpu.memory_space<vmem>>
      %dma_wait3A_205 = arith.constant 0 : i32
      %dma_wait3A_206 = arith.constant 0 : i32
      %dma_wait3A_207 = tpu.memref_slice %arg2[%dma_wait3A_205, %dma_wait3A_206] : memref<180000x128xf32, #tpu.memory_space<hbm>> -> memref<180000x128xf32, #tpu.memory_space<hbm>>
      tpu.wait_indirect_dma semaphore(%arg13 : memref<!tpu.dma_semaphore, #tpu.memory_space<semaphore_mem>>) src(%dma_wait3A_207 : memref<180000x128xf32, #tpu.memory_space<hbm>>) dst(%arg10 : memref<100x128xf32, #tpu.memory_space<vmem>>)
      %add3A_208 = arith.constant 1 : i32
      %add3A_209 = arith.addi %mul3A_201, %add3A_208 : i32
      %dma_start3A_210 = arith.constant 0 : i32
      %dma_start3A_211 = tpu.memref_slice %arg7[%add3A_209, %dma_start3A_210] : memref<40x100xi32, #tpu.memory_space<vmem>> -> memref<1x100xi32, #tpu.memory_space<vmem>>
      %dma_start3A_212 = tpu.memref_squeeze %dma_start3A_211 : memref<1x100xi32, #tpu.memory_space<vmem>> -> memref<100xi32, #tpu.memory_space<vmem>>
      %dma_start3A_213 = arith.constant 0 : i32
      %dma_start3A_214 = arith.constant 0 : i32
      %dma_start3A_215 = tpu.memref_slice %arg2[%dma_start3A_213, %dma_start3A_214] : memref<180000x128xf32, #tpu.memory_space<hbm>> -> memref<180000x128xf32, #tpu.memory_space<hbm>>
      tpu.enqueue_indirect_dma source(%dma_start3A_215 : memref<180000x128xf32, #tpu.memory_space<hbm>>) target(%arg11 : memref<100x128xf32, #tpu.memory_space<vmem>>) offsets(%dma_start3A_212 : memref<100xi32, #tpu.memory_space<vmem>>) semaphore(%arg14 : memref<!tpu.dma_semaphore, #tpu.memory_space<semaphore_mem>>)
      "tpu.region"() ({
        %run_scoped3A = tpu.sem_alloc : memref<!tpu.dma_semaphore, #tpu.memory_space<semaphore_mem>>
        %dma_start3A_231 = arith.constant 0 : i32
        %dma_start3A_232 = tpu.memref_slice %arg9[%mul3A_201, %dma_start3A_231] : memref<40x100xi32, #tpu.memory_space<vmem>> -> memref<1x100xi32, #tpu.memory_space<vmem>>
        %dma_start3A_233 = tpu.memref_squeeze %dma_start3A_232 : memref<1x100xi32, #tpu.memory_space<vmem>> -> memref<100xi32, #tpu.memory_space<vmem>>
        %dma_start3A_234 = arith.constant 0 : i32
        %dma_start3A_235 = arith.constant 0 : i32
        %dma_start3A_236 = tpu.memref_slice %arg12[%dma_start3A_234, %dma_start3A_235] : memref<10240x128xf32, #tpu.memory_space<vmem_shared>> -> memref<10240x128xf32, #tpu.memory_space<vmem_shared>>
        tpu.enqueue_indirect_dma source(%arg10 : memref<100x128xf32, #tpu.memory_space<vmem>>) target(%dma_start3A_236 : memref<10240x128xf32, #tpu.memory_space<vmem_shared>>) offsets(%dma_start3A_233 : memref<100xi32, #tpu.memory_space<vmem>>) semaphore(%run_scoped3A : memref<!tpu.dma_semaphore, #tpu.memory_space<semaphore_mem>>) {add = true}
        %dma_wait3A_237 = arith.constant 0 : i32
        %dma_wait3A_238 = tpu.memref_slice %arg9[%mul3A_201, %dma_wait3A_237] : memref<40x100xi32, #tpu.memory_space<vmem>> -> memref<1x100xi32, #tpu.memory_space<vmem>>
        %dma_wait3A_239 = tpu.memref_squeeze %dma_wait3A_238 : memref<1x100xi32, #tpu.memory_space<vmem>> -> memref<100xi32, #tpu.memory_space<vmem>>
        %dma_wait3A_240 = arith.constant 0 : i32
        %dma_wait3A_241 = arith.constant 0 : i32
        %dma_wait3A_242 = tpu.memref_slice %arg12[%dma_wait3A_240, %dma_wait3A_241] : memref<10240x128xf32, #tpu.memory_space<vmem_shared>> -> memref<10240x128xf32, #tpu.memory_space<vmem_shared>>
        tpu.wait_indirect_dma semaphore(%run_scoped3A : memref<!tpu.dma_semaphore, #tpu.memory_space<semaphore_mem>>) src(%arg10 : memref<100x128xf32, #tpu.memory_space<vmem>>) dst(%dma_wait3A_242 : memref<10240x128xf32, #tpu.memory_space<vmem_shared>>)
        tpu.yield
      }) : () -> ()
      %add3A_216 = arith.constant 1 : i32
      %add3A_217 = arith.addi %mul3A_201, %add3A_216 : i32
      %dma_wait3A_218 = arith.constant 0 : i32
      %dma_wait3A_219 = tpu.memref_slice %arg7[%add3A_217, %dma_wait3A_218] : memref<40x100xi32, #tpu.memory_space<vmem>> -> memref<1x100xi32, #tpu.memory_space<vmem>>
      %dma_wait3A_220 = tpu.memref_squeeze %dma_wait3A_219 : memref<1x100xi32, #tpu.memory_space<vmem>> -> memref<100xi32, #tpu.memory_space<vmem>>
      %dma_wait3A_221 = arith.constant 0 : i32
      %dma_wait3A_222 = arith.constant 0 : i32
      %dma_wait3A_223 = tpu.memref_slice %arg2[%dma_wait3A_221, %dma_wait3A_222] : memref<180000x128xf32, #tpu.memory_space<hbm>> -> memref<180000x128xf32, #tpu.memory_space<hbm>>
      tpu.wait_indirect_dma semaphore(%arg14 : memref<!tpu.dma_semaphore, #tpu.memory_space<semaphore_mem>>) src(%dma_wait3A_223 : memref<180000x128xf32, #tpu.memory_space<hbm>>) dst(%arg11 : memref<100x128xf32, #tpu.memory_space<vmem>>)
      %add3A_224 = arith.constant 2 : i32
      %add3A_225 = arith.addi %mul3A_201, %add3A_224 : i32
      %lt3A = arith.constant 40 : i32
      %lt3A_226 = arith.cmpi slt, %add3A_225, %lt3A : i32
      %convert_element_type3A = arith.extui %lt3A_226 : i1 to i32
      %cond3A = arith.constant 0 : i32
      %cond3A_227 = arith.cmpi ne, %convert_element_type3A, %cond3A : i32
      scf.if %cond3A_227 {
        %add3A_231 = arith.constant 2 : i32
        %add3A_232 = arith.addi %mul3A_201, %add3A_231 : i32
        %dma_start3A_233 = arith.constant 0 : i32
        %dma_start3A_234 = tpu.memref_slice %arg7[%add3A_232, %dma_start3A_233] : memref<40x100xi32, #tpu.memory_space<vmem>> -> memref<1x100xi32, #tpu.memory_space<vmem>>
        %dma_start3A_235 = tpu.memref_squeeze %dma_start3A_234 : memref<1x100xi32, #tpu.memory_space<vmem>> -> memref<100xi32, #tpu.memory_space<vmem>>
        %dma_start3A_236 = arith.constant 0 : i32
        %dma_start3A_237 = arith.constant 0 : i32
        %dma_start3A_238 = tpu.memref_slice %arg2[%dma_start3A_236, %dma_start3A_237] : memref<180000x128xf32, #tpu.memory_space<hbm>> -> memref<180000x128xf32, #tpu.memory_space<hbm>>
        tpu.enqueue_indirect_dma source(%dma_start3A_238 : memref<180000x128xf32, #tpu.memory_space<hbm>>) target(%arg10 : memref<100x128xf32, #tpu.memory_space<vmem>>) offsets(%dma_start3A_235 : memref<100xi32, #tpu.memory_space<vmem>>) semaphore(%arg13 : memref<!tpu.dma_semaphore, #tpu.memory_space<semaphore_mem>>)
      } else {
      }
      %add3A_228 = arith.constant 1 : i32
      %add3A_229 = arith.addi %mul3A_201, %add3A_228 : i32
      "tpu.region"() ({
        %run_scoped3A = tpu.sem_alloc : memref<!tpu.dma_semaphore, #tpu.memory_space<semaphore_mem>>
        %dma_start3A_231 = arith.constant 0 : i32
        %dma_start3A_232 = tpu.memref_slice %arg9[%add3A_229, %dma_start3A_231] : memref<40x100xi32, #tpu.memory_space<vmem>> -> memref<1x100xi32, #tpu.memory_space<vmem>>
        %dma_start3A_233 = tpu.memref_squeeze %dma_start3A_232 : memref<1x100xi32, #tpu.memory_space<vmem>> -> memref<100xi32, #tpu.memory_space<vmem>>
        %dma_start3A_234 = arith.constant 0 : i32
        %dma_start3A_235 = arith.constant 0 : i32
        %dma_start3A_236 = tpu.memref_slice %arg12[%dma_start3A_234, %dma_start3A_235] : memref<10240x128xf32, #tpu.memory_space<vmem_shared>> -> memref<10240x128xf32, #tpu.memory_space<vmem_shared>>
        tpu.enqueue_indirect_dma source(%arg11 : memref<100x128xf32, #tpu.memory_space<vmem>>) target(%dma_start3A_236 : memref<10240x128xf32, #tpu.memory_space<vmem_shared>>) offsets(%dma_start3A_233 : memref<100xi32, #tpu.memory_space<vmem>>) semaphore(%run_scoped3A : memref<!tpu.dma_semaphore, #tpu.memory_space<semaphore_mem>>) {add = true}
        %dma_wait3A_237 = arith.constant 0 : i32
        %dma_wait3A_238 = tpu.memref_slice %arg9[%add3A_229, %dma_wait3A_237] : memref<40x100xi32, #tpu.memory_space<vmem>> -> memref<1x100xi32, #tpu.memory_space<vmem>>
        %dma_wait3A_239 = tpu.memref_squeeze %dma_wait3A_238 : memref<1x100xi32, #tpu.memory_space<vmem>> -> memref<100xi32, #tpu.memory_space<vmem>>
        %dma_wait3A_240 = arith.constant 0 : i32
        %dma_wait3A_241 = arith.constant 0 : i32
        %dma_wait3A_242 = tpu.memref_slice %arg12[%dma_wait3A_240, %dma_wait3A_241] : memref<10240x128xf32, #tpu.memory_space<vmem_shared>> -> memref<10240x128xf32, #tpu.memory_space<vmem_shared>>
        tpu.wait_indirect_dma semaphore(%run_scoped3A : memref<!tpu.dma_semaphore, #tpu.memory_space<semaphore_mem>>) src(%arg11 : memref<100x128xf32, #tpu.memory_space<vmem>>) dst(%dma_wait3A_242 : memref<10240x128xf32, #tpu.memory_space<vmem_shared>>)
        tpu.yield
      }) : () -> ()
      %scan3A_230 = arith.constant 0 : i32
      scf.yield %scan3A_230 : i32
    }
    %scan3A_99 = arith.constant 20 : i32
    %dma_wait3A_100 = arith.constant 0 : i32
    %dma_wait3A_101 = tpu.memref_slice %arg3[%add3A_75, %dma_wait3A_100] : memref<6400x100xi32, #tpu.memory_space<hbm>> -> memref<40x100xi32, #tpu.memory_space<hbm>>
    %dma_wait3A_102 = arith.constant 0 : i32
    %dma_wait3A_103 = tpu.memref_slice %arg3[%add3A_75, %dma_wait3A_102] : memref<6400x100xi32, #tpu.memory_space<hbm>> -> memref<40x100xi32, #tpu.memory_space<hbm>>
    tpu.wait_dma2 semaphore(%arg15 : memref<!tpu.dma_semaphore, #tpu.memory_space<semaphore_mem>>) src(%dma_wait3A_103 : memref<40x100xi32, #tpu.memory_space<hbm>>) dst(%arg6 : memref<40x100xi32, #tpu.memory_space<vmem>>)
    %dma_wait3A_104 = arith.constant 0 : i32
    %dma_wait3A_105 = tpu.memref_slice %arg4[%add3A_81, %dma_wait3A_104] : memref<3200x100xi32, #tpu.memory_space<hbm>> -> memref<40x100xi32, #tpu.memory_space<hbm>>
    %dma_wait3A_106 = arith.constant 0 : i32
    %dma_wait3A_107 = tpu.memref_slice %arg4[%add3A_81, %dma_wait3A_106] : memref<3200x100xi32, #tpu.memory_space<hbm>> -> memref<40x100xi32, #tpu.memory_space<hbm>>
    tpu.wait_dma2 semaphore(%arg15 : memref<!tpu.dma_semaphore, #tpu.memory_space<semaphore_mem>>) src(%dma_wait3A_107 : memref<40x100xi32, #tpu.memory_space<hbm>>) dst(%arg8 : memref<40x100xi32, #tpu.memory_space<vmem>>)
    %add3A_108 = arith.constant 120 : i32
    %add3A_109 = arith.addi %mul3A_2, %add3A_108 : i32
    %dma_start3A_110 = arith.constant 0 : i32
    %dma_start3A_111 = tpu.memref_slice %arg3[%add3A_109, %dma_start3A_110] : memref<6400x100xi32, #tpu.memory_space<hbm>> -> memref<40x100xi32, #tpu.memory_space<hbm>>
    %dma_start3A_112 = arith.constant 0 : i32
    %dma_start3A_113 = tpu.memref_slice %arg3[%add3A_109, %dma_start3A_112] : memref<6400x100xi32, #tpu.memory_space<hbm>> -> memref<40x100xi32, #tpu.memory_space<hbm>>
    tpu.enqueue_dma source(%dma_start3A_113 : memref<40x100xi32, #tpu.memory_space<hbm>>) target(%arg7 : memref<40x100xi32, #tpu.memory_space<vmem>>) target_semaphore(%arg16 : memref<!tpu.dma_semaphore, #tpu.memory_space<semaphore_mem>>)
    %add3A_114 = arith.constant 120 : i32
    %add3A_115 = arith.addi %mul3A_4, %add3A_114 : i32
    %dma_start3A_116 = arith.constant 0 : i32
    %dma_start3A_117 = tpu.memref_slice %arg4[%add3A_115, %dma_start3A_116] : memref<3200x100xi32, #tpu.memory_space<hbm>> -> memref<40x100xi32, #tpu.memory_space<hbm>>
    %dma_start3A_118 = arith.constant 0 : i32
    %dma_start3A_119 = tpu.memref_slice %arg4[%add3A_115, %dma_start3A_118] : memref<3200x100xi32, #tpu.memory_space<hbm>> -> memref<40x100xi32, #tpu.memory_space<hbm>>
    tpu.enqueue_dma source(%dma_start3A_119 : memref<40x100xi32, #tpu.memory_space<hbm>>) target(%arg9 : memref<40x100xi32, #tpu.memory_space<vmem>>) target_semaphore(%arg16 : memref<!tpu.dma_semaphore, #tpu.memory_space<semaphore_mem>>)
    %dma_start3A_120 = arith.constant 0 : i32
    %dma_start3A_121 = arith.constant 0 : i32
    %dma_start3A_122 = tpu.memref_slice %arg6[%dma_start3A_120, %dma_start3A_121] : memref<40x100xi32, #tpu.memory_space<vmem>> -> memref<1x100xi32, #tpu.memory_space<vmem>>
    %dma_start3A_123 = tpu.memref_squeeze %dma_start3A_122 : memref<1x100xi32, #tpu.memory_space<vmem>> -> memref<100xi32, #tpu.memory_space<vmem>>
    %dma_start3A_124 = arith.constant 0 : i32
    %dma_start3A_125 = arith.constant 0 : i32
    %dma_start3A_126 = tpu.memref_slice %arg2[%dma_start3A_124, %dma_start3A_125] : memref<180000x128xf32, #tpu.memory_space<hbm>> -> memref<180000x128xf32, #tpu.memory_space<hbm>>
    tpu.enqueue_indirect_dma source(%dma_start3A_126 : memref<180000x128xf32, #tpu.memory_space<hbm>>) target(%arg10 : memref<100x128xf32, #tpu.memory_space<vmem>>) offsets(%dma_start3A_123 : memref<100xi32, #tpu.memory_space<vmem>>) semaphore(%arg13 : memref<!tpu.dma_semaphore, #tpu.memory_space<semaphore_mem>>)
    %scan3A_127 = arith.constant 0 : i32
    %scan3A_128 = arith.constant 0 : i32
    %scan3A_129 = arith.constant 20 : i32
    %scan3A_130 = arith.addi %scan3A_128, %scan3A_129 : i32
    %scan3A_131 = arith.constant 1 : i32
    %scan3A_132 = scf.for %scan3A_198 = %scan3A_128 to %scan3A_130 step %scan3A_131 iter_args(%scan3A_199 = %scan3A_127) -> (i32)  : i32 {
      %mul3A_200 = arith.constant 2 : i32
      %mul3A_201 = arith.muli %scan3A_198, %mul3A_200 : i32
      %dma_wait3A_202 = arith.constant 0 : i32
      %dma_wait3A_203 = tpu.memref_slice %arg6[%mul3A_201, %dma_wait3A_202] : memref<40x100xi32, #tpu.memory_space<vmem>> -> memref<1x100xi32, #tpu.memory_space<vmem>>
      %dma_wait3A_204 = tpu.memref_squeeze %dma_wait3A_203 : memref<1x100xi32, #tpu.memory_space<vmem>> -> memref<100xi32, #tpu.memory_space<vmem>>
      %dma_wait3A_205 = arith.constant 0 : i32
      %dma_wait3A_206 = arith.constant 0 : i32
      %dma_wait3A_207 = tpu.memref_slice %arg2[%dma_wait3A_205, %dma_wait3A_206] : memref<180000x128xf32, #tpu.memory_space<hbm>> -> memref<180000x128xf32, #tpu.memory_space<hbm>>
      tpu.wait_indirect_dma semaphore(%arg13 : memref<!tpu.dma_semaphore, #tpu.memory_space<semaphore_mem>>) src(%dma_wait3A_207 : memref<180000x128xf32, #tpu.memory_space<hbm>>) dst(%arg10 : memref<100x128xf32, #tpu.memory_space<vmem>>)
      %add3A_208 = arith.constant 1 : i32
      %add3A_209 = arith.addi %mul3A_201, %add3A_208 : i32
      %dma_start3A_210 = arith.constant 0 : i32
      %dma_start3A_211 = tpu.memref_slice %arg6[%add3A_209, %dma_start3A_210] : memref<40x100xi32, #tpu.memory_space<vmem>> -> memref<1x100xi32, #tpu.memory_space<vmem>>
      %dma_start3A_212 = tpu.memref_squeeze %dma_start3A_211 : memref<1x100xi32, #tpu.memory_space<vmem>> -> memref<100xi32, #tpu.memory_space<vmem>>
      %dma_start3A_213 = arith.constant 0 : i32
      %dma_start3A_214 = arith.constant 0 : i32
      %dma_start3A_215 = tpu.memref_slice %arg2[%dma_start3A_213, %dma_start3A_214] : memref<180000x128xf32, #tpu.memory_space<hbm>> -> memref<180000x128xf32, #tpu.memory_space<hbm>>
      tpu.enqueue_indirect_dma source(%dma_start3A_215 : memref<180000x128xf32, #tpu.memory_space<hbm>>) target(%arg11 : memref<100x128xf32, #tpu.memory_space<vmem>>) offsets(%dma_start3A_212 : memref<100xi32, #tpu.memory_space<vmem>>) semaphore(%arg14 : memref<!tpu.dma_semaphore, #tpu.memory_space<semaphore_mem>>)
      "tpu.region"() ({
        %run_scoped3A = tpu.sem_alloc : memref<!tpu.dma_semaphore, #tpu.memory_space<semaphore_mem>>
        %dma_start3A_231 = arith.constant 0 : i32
        %dma_start3A_232 = tpu.memref_slice %arg8[%mul3A_201, %dma_start3A_231] : memref<40x100xi32, #tpu.memory_space<vmem>> -> memref<1x100xi32, #tpu.memory_space<vmem>>
        %dma_start3A_233 = tpu.memref_squeeze %dma_start3A_232 : memref<1x100xi32, #tpu.memory_space<vmem>> -> memref<100xi32, #tpu.memory_space<vmem>>
        %dma_start3A_234 = arith.constant 0 : i32
        %dma_start3A_235 = arith.constant 0 : i32
        %dma_start3A_236 = tpu.memref_slice %arg12[%dma_start3A_234, %dma_start3A_235] : memref<10240x128xf32, #tpu.memory_space<vmem_shared>> -> memref<10240x128xf32, #tpu.memory_space<vmem_shared>>
        tpu.enqueue_indirect_dma source(%arg10 : memref<100x128xf32, #tpu.memory_space<vmem>>) target(%dma_start3A_236 : memref<10240x128xf32, #tpu.memory_space<vmem_shared>>) offsets(%dma_start3A_233 : memref<100xi32, #tpu.memory_space<vmem>>) semaphore(%run_scoped3A : memref<!tpu.dma_semaphore, #tpu.memory_space<semaphore_mem>>) {add = true}
        %dma_wait3A_237 = arith.constant 0 : i32
        %dma_wait3A_238 = tpu.memref_slice %arg8[%mul3A_201, %dma_wait3A_237] : memref<40x100xi32, #tpu.memory_space<vmem>> -> memref<1x100xi32, #tpu.memory_space<vmem>>
        %dma_wait3A_239 = tpu.memref_squeeze %dma_wait3A_238 : memref<1x100xi32, #tpu.memory_space<vmem>> -> memref<100xi32, #tpu.memory_space<vmem>>
        %dma_wait3A_240 = arith.constant 0 : i32
        %dma_wait3A_241 = arith.constant 0 : i32
        %dma_wait3A_242 = tpu.memref_slice %arg12[%dma_wait3A_240, %dma_wait3A_241] : memref<10240x128xf32, #tpu.memory_space<vmem_shared>> -> memref<10240x128xf32, #tpu.memory_space<vmem_shared>>
        tpu.wait_indirect_dma semaphore(%run_scoped3A : memref<!tpu.dma_semaphore, #tpu.memory_space<semaphore_mem>>) src(%arg10 : memref<100x128xf32, #tpu.memory_space<vmem>>) dst(%dma_wait3A_242 : memref<10240x128xf32, #tpu.memory_space<vmem_shared>>)
        tpu.yield
      }) : () -> ()
      %add3A_216 = arith.constant 1 : i32
      %add3A_217 = arith.addi %mul3A_201, %add3A_216 : i32
      %dma_wait3A_218 = arith.constant 0 : i32
      %dma_wait3A_219 = tpu.memref_slice %arg6[%add3A_217, %dma_wait3A_218] : memref<40x100xi32, #tpu.memory_space<vmem>> -> memref<1x100xi32, #tpu.memory_space<vmem>>
      %dma_wait3A_220 = tpu.memref_squeeze %dma_wait3A_219 : memref<1x100xi32, #tpu.memory_space<vmem>> -> memref<100xi32, #tpu.memory_space<vmem>>
      %dma_wait3A_221 = arith.constant 0 : i32
      %dma_wait3A_222 = arith.constant 0 : i32
      %dma_wait3A_223 = tpu.memref_slice %arg2[%dma_wait3A_221, %dma_wait3A_222] : memref<180000x128xf32, #tpu.memory_space<hbm>> -> memref<180000x128xf32, #tpu.memory_space<hbm>>
      tpu.wait_indirect_dma semaphore(%arg14 : memref<!tpu.dma_semaphore, #tpu.memory_space<semaphore_mem>>) src(%dma_wait3A_223 : memref<180000x128xf32, #tpu.memory_space<hbm>>) dst(%arg11 : memref<100x128xf32, #tpu.memory_space<vmem>>)
      %add3A_224 = arith.constant 2 : i32
      %add3A_225 = arith.addi %mul3A_201, %add3A_224 : i32
      %lt3A = arith.constant 40 : i32
      %lt3A_226 = arith.cmpi slt, %add3A_225, %lt3A : i32
      %convert_element_type3A = arith.extui %lt3A_226 : i1 to i32
      %cond3A = arith.constant 0 : i32
      %cond3A_227 = arith.cmpi ne, %convert_element_type3A, %cond3A : i32
      scf.if %cond3A_227 {
        %add3A_231 = arith.constant 2 : i32
        %add3A_232 = arith.addi %mul3A_201, %add3A_231 : i32
        %dma_start3A_233 = arith.constant 0 : i32
        %dma_start3A_234 = tpu.memref_slice %arg6[%add3A_232, %dma_start3A_233] : memref<40x100xi32, #tpu.memory_space<vmem>> -> memref<1x100xi32, #tpu.memory_space<vmem>>
        %dma_start3A_235 = tpu.memref_squeeze %dma_start3A_234 : memref<1x100xi32, #tpu.memory_space<vmem>> -> memref<100xi32, #tpu.memory_space<vmem>>
        %dma_start3A_236 = arith.constant 0 : i32
        %dma_start3A_237 = arith.constant 0 : i32
        %dma_start3A_238 = tpu.memref_slice %arg2[%dma_start3A_236, %dma_start3A_237] : memref<180000x128xf32, #tpu.memory_space<hbm>> -> memref<180000x128xf32, #tpu.memory_space<hbm>>
        tpu.enqueue_indirect_dma source(%dma_start3A_238 : memref<180000x128xf32, #tpu.memory_space<hbm>>) target(%arg10 : memref<100x128xf32, #tpu.memory_space<vmem>>) offsets(%dma_start3A_235 : memref<100xi32, #tpu.memory_space<vmem>>) semaphore(%arg13 : memref<!tpu.dma_semaphore, #tpu.memory_space<semaphore_mem>>)
      } else {
      }
      %add3A_228 = arith.constant 1 : i32
      %add3A_229 = arith.addi %mul3A_201, %add3A_228 : i32
      "tpu.region"() ({
        %run_scoped3A = tpu.sem_alloc : memref<!tpu.dma_semaphore, #tpu.memory_space<semaphore_mem>>
        %dma_start3A_231 = arith.constant 0 : i32
        %dma_start3A_232 = tpu.memref_slice %arg8[%add3A_229, %dma_start3A_231] : memref<40x100xi32, #tpu.memory_space<vmem>> -> memref<1x100xi32, #tpu.memory_space<vmem>>
        %dma_start3A_233 = tpu.memref_squeeze %dma_start3A_232 : memref<1x100xi32, #tpu.memory_space<vmem>> -> memref<100xi32, #tpu.memory_space<vmem>>
        %dma_start3A_234 = arith.constant 0 : i32
        %dma_start3A_235 = arith.constant 0 : i32
        %dma_start3A_236 = tpu.memref_slice %arg12[%dma_start3A_234, %dma_start3A_235] : memref<10240x128xf32, #tpu.memory_space<vmem_shared>> -> memref<10240x128xf32, #tpu.memory_space<vmem_shared>>
        tpu.enqueue_indirect_dma source(%arg11 : memref<100x128xf32, #tpu.memory_space<vmem>>) target(%dma_start3A_236 : memref<10240x128xf32, #tpu.memory_space<vmem_shared>>) offsets(%dma_start3A_233 : memref<100xi32, #tpu.memory_space<vmem>>) semaphore(%run_scoped3A : memref<!tpu.dma_semaphore, #tpu.memory_space<semaphore_mem>>) {add = true}
        %dma_wait3A_237 = arith.constant 0 : i32
        %dma_wait3A_238 = tpu.memref_slice %arg8[%add3A_229, %dma_wait3A_237] : memref<40x100xi32, #tpu.memory_space<vmem>> -> memref<1x100xi32, #tpu.memory_space<vmem>>
        %dma_wait3A_239 = tpu.memref_squeeze %dma_wait3A_238 : memref<1x100xi32, #tpu.memory_space<vmem>> -> memref<100xi32, #tpu.memory_space<vmem>>
        %dma_wait3A_240 = arith.constant 0 : i32
        %dma_wait3A_241 = arith.constant 0 : i32
        %dma_wait3A_242 = tpu.memref_slice %arg12[%dma_wait3A_240, %dma_wait3A_241] : memref<10240x128xf32, #tpu.memory_space<vmem_shared>> -> memref<10240x128xf32, #tpu.memory_space<vmem_shared>>
        tpu.wait_indirect_dma semaphore(%run_scoped3A : memref<!tpu.dma_semaphore, #tpu.memory_space<semaphore_mem>>) src(%arg11 : memref<100x128xf32, #tpu.memory_space<vmem>>) dst(%dma_wait3A_242 : memref<10240x128xf32, #tpu.memory_space<vmem_shared>>)
        tpu.yield
      }) : () -> ()
      %scan3A_230 = arith.constant 0 : i32
      scf.yield %scan3A_230 : i32
    }
    %scan3A_133 = arith.constant 20 : i32
    %dma_wait3A_134 = arith.constant 0 : i32
    %dma_wait3A_135 = tpu.memref_slice %arg3[%add3A_109, %dma_wait3A_134] : memref<6400x100xi32, #tpu.memory_space<hbm>> -> memref<40x100xi32, #tpu.memory_space<hbm>>
    %dma_wait3A_136 = arith.constant 0 : i32
    %dma_wait3A_137 = tpu.memref_slice %arg3[%add3A_109, %dma_wait3A_136] : memref<6400x100xi32, #tpu.memory_space<hbm>> -> memref<40x100xi32, #tpu.memory_space<hbm>>
    tpu.wait_dma2 semaphore(%arg16 : memref<!tpu.dma_semaphore, #tpu.memory_space<semaphore_mem>>) src(%dma_wait3A_137 : memref<40x100xi32, #tpu.memory_space<hbm>>) dst(%arg7 : memref<40x100xi32, #tpu.memory_space<vmem>>)
    %dma_wait3A_138 = arith.constant 0 : i32
    %dma_wait3A_139 = tpu.memref_slice %arg4[%add3A_115, %dma_wait3A_138] : memref<3200x100xi32, #tpu.memory_space<hbm>> -> memref<40x100xi32, #tpu.memory_space<hbm>>
    %dma_wait3A_140 = arith.constant 0 : i32
    %dma_wait3A_141 = tpu.memref_slice %arg4[%add3A_115, %dma_wait3A_140] : memref<3200x100xi32, #tpu.memory_space<hbm>> -> memref<40x100xi32, #tpu.memory_space<hbm>>
    tpu.wait_dma2 semaphore(%arg16 : memref<!tpu.dma_semaphore, #tpu.memory_space<semaphore_mem>>) src(%dma_wait3A_141 : memref<40x100xi32, #tpu.memory_space<hbm>>) dst(%arg9 : memref<40x100xi32, #tpu.memory_space<vmem>>)
    %add3A_142 = arith.constant 160 : i32
    %add3A_143 = arith.addi %mul3A_2, %add3A_142 : i32
    %dma_start3A_144 = arith.constant 0 : i32
    %dma_start3A_145 = tpu.memref_slice %arg3[%add3A_143, %dma_start3A_144] : memref<6400x100xi32, #tpu.memory_space<hbm>> -> memref<40x100xi32, #tpu.memory_space<hbm>>
    %dma_start3A_146 = arith.constant 0 : i32
    %dma_start3A_147 = tpu.memref_slice %arg3[%add3A_143, %dma_start3A_146] : memref<6400x100xi32, #tpu.memory_space<hbm>> -> memref<40x100xi32, #tpu.memory_space<hbm>>
    tpu.enqueue_dma source(%dma_start3A_147 : memref<40x100xi32, #tpu.memory_space<hbm>>) target(%arg6 : memref<40x100xi32, #tpu.memory_space<vmem>>) target_semaphore(%arg15 : memref<!tpu.dma_semaphore, #tpu.memory_space<semaphore_mem>>)
    %add3A_148 = arith.constant 160 : i32
    %add3A_149 = arith.addi %mul3A_4, %add3A_148 : i32
    %dma_start3A_150 = arith.constant 0 : i32
    %dma_start3A_151 = tpu.memref_slice %arg4[%add3A_149, %dma_start3A_150] : memref<3200x100xi32, #tpu.memory_space<hbm>> -> memref<40x100xi32, #tpu.memory_space<hbm>>
    %dma_start3A_152 = arith.constant 0 : i32
    %dma_start3A_153 = tpu.memref_slice %arg4[%add3A_149, %dma_start3A_152] : memref<3200x100xi32, #tpu.memory_space<hbm>> -> memref<40x100xi32, #tpu.memory_space<hbm>>
    tpu.enqueue_dma source(%dma_start3A_153 : memref<40x100xi32, #tpu.memory_space<hbm>>) target(%arg8 : memref<40x100xi32, #tpu.memory_space<vmem>>) target_semaphore(%arg15 : memref<!tpu.dma_semaphore, #tpu.memory_space<semaphore_mem>>)
    %dma_start3A_154 = arith.constant 0 : i32
    %dma_start3A_155 = arith.constant 0 : i32
    %dma_start3A_156 = tpu.memref_slice %arg7[%dma_start3A_154, %dma_start3A_155] : memref<40x100xi32, #tpu.memory_space<vmem>> -> memref<1x100xi32, #tpu.memory_space<vmem>>
    %dma_start3A_157 = tpu.memref_squeeze %dma_start3A_156 : memref<1x100xi32, #tpu.memory_space<vmem>> -> memref<100xi32, #tpu.memory_space<vmem>>
    %dma_start3A_158 = arith.constant 0 : i32
    %dma_start3A_159 = arith.constant 0 : i32
    %dma_start3A_160 = tpu.memref_slice %arg2[%dma_start3A_158, %dma_start3A_159] : memref<180000x128xf32, #tpu.memory_space<hbm>> -> memref<180000x128xf32, #tpu.memory_space<hbm>>
    tpu.enqueue_indirect_dma source(%dma_start3A_160 : memref<180000x128xf32, #tpu.memory_space<hbm>>) target(%arg10 : memref<100x128xf32, #tpu.memory_space<vmem>>) offsets(%dma_start3A_157 : memref<100xi32, #tpu.memory_space<vmem>>) semaphore(%arg13 : memref<!tpu.dma_semaphore, #tpu.memory_space<semaphore_mem>>)
    %scan3A_161 = arith.constant 0 : i32
    %scan3A_162 = arith.constant 0 : i32
    %scan3A_163 = arith.constant 20 : i32
    %scan3A_164 = arith.addi %scan3A_162, %scan3A_163 : i32
    %scan3A_165 = arith.constant 1 : i32
    %scan3A_166 = scf.for %scan3A_198 = %scan3A_162 to %scan3A_164 step %scan3A_165 iter_args(%scan3A_199 = %scan3A_161) -> (i32)  : i32 {
      %mul3A_200 = arith.constant 2 : i32
      %mul3A_201 = arith.muli %scan3A_198, %mul3A_200 : i32
      %dma_wait3A_202 = arith.constant 0 : i32
      %dma_wait3A_203 = tpu.memref_slice %arg7[%mul3A_201, %dma_wait3A_202] : memref<40x100xi32, #tpu.memory_space<vmem>> -> memref<1x100xi32, #tpu.memory_space<vmem>>
      %dma_wait3A_204 = tpu.memref_squeeze %dma_wait3A_203 : memref<1x100xi32, #tpu.memory_space<vmem>> -> memref<100xi32, #tpu.memory_space<vmem>>
      %dma_wait3A_205 = arith.constant 0 : i32
      %dma_wait3A_206 = arith.constant 0 : i32
      %dma_wait3A_207 = tpu.memref_slice %arg2[%dma_wait3A_205, %dma_wait3A_206] : memref<180000x128xf32, #tpu.memory_space<hbm>> -> memref<180000x128xf32, #tpu.memory_space<hbm>>
      tpu.wait_indirect_dma semaphore(%arg13 : memref<!tpu.dma_semaphore, #tpu.memory_space<semaphore_mem>>) src(%dma_wait3A_207 : memref<180000x128xf32, #tpu.memory_space<hbm>>) dst(%arg10 : memref<100x128xf32, #tpu.memory_space<vmem>>)
      %add3A_208 = arith.constant 1 : i32
      %add3A_209 = arith.addi %mul3A_201, %add3A_208 : i32
      %dma_start3A_210 = arith.constant 0 : i32
      %dma_start3A_211 = tpu.memref_slice %arg7[%add3A_209, %dma_start3A_210] : memref<40x100xi32, #tpu.memory_space<vmem>> -> memref<1x100xi32, #tpu.memory_space<vmem>>
      %dma_start3A_212 = tpu.memref_squeeze %dma_start3A_211 : memref<1x100xi32, #tpu.memory_space<vmem>> -> memref<100xi32, #tpu.memory_space<vmem>>
      %dma_start3A_213 = arith.constant 0 : i32
      %dma_start3A_214 = arith.constant 0 : i32
      %dma_start3A_215 = tpu.memref_slice %arg2[%dma_start3A_213, %dma_start3A_214] : memref<180000x128xf32, #tpu.memory_space<hbm>> -> memref<180000x128xf32, #tpu.memory_space<hbm>>
      tpu.enqueue_indirect_dma source(%dma_start3A_215 : memref<180000x128xf32, #tpu.memory_space<hbm>>) target(%arg11 : memref<100x128xf32, #tpu.memory_space<vmem>>) offsets(%dma_start3A_212 : memref<100xi32, #tpu.memory_space<vmem>>) semaphore(%arg14 : memref<!tpu.dma_semaphore, #tpu.memory_space<semaphore_mem>>)
      "tpu.region"() ({
        %run_scoped3A = tpu.sem_alloc : memref<!tpu.dma_semaphore, #tpu.memory_space<semaphore_mem>>
        %dma_start3A_231 = arith.constant 0 : i32
        %dma_start3A_232 = tpu.memref_slice %arg9[%mul3A_201, %dma_start3A_231] : memref<40x100xi32, #tpu.memory_space<vmem>> -> memref<1x100xi32, #tpu.memory_space<vmem>>
        %dma_start3A_233 = tpu.memref_squeeze %dma_start3A_232 : memref<1x100xi32, #tpu.memory_space<vmem>> -> memref<100xi32, #tpu.memory_space<vmem>>
        %dma_start3A_234 = arith.constant 0 : i32
        %dma_start3A_235 = arith.constant 0 : i32
        %dma_start3A_236 = tpu.memref_slice %arg12[%dma_start3A_234, %dma_start3A_235] : memref<10240x128xf32, #tpu.memory_space<vmem_shared>> -> memref<10240x128xf32, #tpu.memory_space<vmem_shared>>
        tpu.enqueue_indirect_dma source(%arg10 : memref<100x128xf32, #tpu.memory_space<vmem>>) target(%dma_start3A_236 : memref<10240x128xf32, #tpu.memory_space<vmem_shared>>) offsets(%dma_start3A_233 : memref<100xi32, #tpu.memory_space<vmem>>) semaphore(%run_scoped3A : memref<!tpu.dma_semaphore, #tpu.memory_space<semaphore_mem>>) {add = true}
        %dma_wait3A_237 = arith.constant 0 : i32
        %dma_wait3A_238 = tpu.memref_slice %arg9[%mul3A_201, %dma_wait3A_237] : memref<40x100xi32, #tpu.memory_space<vmem>> -> memref<1x100xi32, #tpu.memory_space<vmem>>
        %dma_wait3A_239 = tpu.memref_squeeze %dma_wait3A_238 : memref<1x100xi32, #tpu.memory_space<vmem>> -> memref<100xi32, #tpu.memory_space<vmem>>
        %dma_wait3A_240 = arith.constant 0 : i32
        %dma_wait3A_241 = arith.constant 0 : i32
        %dma_wait3A_242 = tpu.memref_slice %arg12[%dma_wait3A_240, %dma_wait3A_241] : memref<10240x128xf32, #tpu.memory_space<vmem_shared>> -> memref<10240x128xf32, #tpu.memory_space<vmem_shared>>
        tpu.wait_indirect_dma semaphore(%run_scoped3A : memref<!tpu.dma_semaphore, #tpu.memory_space<semaphore_mem>>) src(%arg10 : memref<100x128xf32, #tpu.memory_space<vmem>>) dst(%dma_wait3A_242 : memref<10240x128xf32, #tpu.memory_space<vmem_shared>>)
        tpu.yield
      }) : () -> ()
      %add3A_216 = arith.constant 1 : i32
      %add3A_217 = arith.addi %mul3A_201, %add3A_216 : i32
      %dma_wait3A_218 = arith.constant 0 : i32
      %dma_wait3A_219 = tpu.memref_slice %arg7[%add3A_217, %dma_wait3A_218] : memref<40x100xi32, #tpu.memory_space<vmem>> -> memref<1x100xi32, #tpu.memory_space<vmem>>
      %dma_wait3A_220 = tpu.memref_squeeze %dma_wait3A_219 : memref<1x100xi32, #tpu.memory_space<vmem>> -> memref<100xi32, #tpu.memory_space<vmem>>
      %dma_wait3A_221 = arith.constant 0 : i32
      %dma_wait3A_222 = arith.constant 0 : i32
      %dma_wait3A_223 = tpu.memref_slice %arg2[%dma_wait3A_221, %dma_wait3A_222] : memref<180000x128xf32, #tpu.memory_space<hbm>> -> memref<180000x128xf32, #tpu.memory_space<hbm>>
      tpu.wait_indirect_dma semaphore(%arg14 : memref<!tpu.dma_semaphore, #tpu.memory_space<semaphore_mem>>) src(%dma_wait3A_223 : memref<180000x128xf32, #tpu.memory_space<hbm>>) dst(%arg11 : memref<100x128xf32, #tpu.memory_space<vmem>>)
      %add3A_224 = arith.constant 2 : i32
      %add3A_225 = arith.addi %mul3A_201, %add3A_224 : i32
      %lt3A = arith.constant 40 : i32
      %lt3A_226 = arith.cmpi slt, %add3A_225, %lt3A : i32
      %convert_element_type3A = arith.extui %lt3A_226 : i1 to i32
      %cond3A = arith.constant 0 : i32
      %cond3A_227 = arith.cmpi ne, %convert_element_type3A, %cond3A : i32
      scf.if %cond3A_227 {
        %add3A_231 = arith.constant 2 : i32
        %add3A_232 = arith.addi %mul3A_201, %add3A_231 : i32
        %dma_start3A_233 = arith.constant 0 : i32
        %dma_start3A_234 = tpu.memref_slice %arg7[%add3A_232, %dma_start3A_233] : memref<40x100xi32, #tpu.memory_space<vmem>> -> memref<1x100xi32, #tpu.memory_space<vmem>>
        %dma_start3A_235 = tpu.memref_squeeze %dma_start3A_234 : memref<1x100xi32, #tpu.memory_space<vmem>> -> memref<100xi32, #tpu.memory_space<vmem>>
        %dma_start3A_236 = arith.constant 0 : i32
        %dma_start3A_237 = arith.constant 0 : i32
        %dma_start3A_238 = tpu.memref_slice %arg2[%dma_start3A_236, %dma_start3A_237] : memref<180000x128xf32, #tpu.memory_space<hbm>> -> memref<180000x128xf32, #tpu.memory_space<hbm>>
        tpu.enqueue_indirect_dma source(%dma_start3A_238 : memref<180000x128xf32, #tpu.memory_space<hbm>>) target(%arg10 : memref<100x128xf32, #tpu.memory_space<vmem>>) offsets(%dma_start3A_235 : memref<100xi32, #tpu.memory_space<vmem>>) semaphore(%arg13 : memref<!tpu.dma_semaphore, #tpu.memory_space<semaphore_mem>>)
      } else {
      }
      %add3A_228 = arith.constant 1 : i32
      %add3A_229 = arith.addi %mul3A_201, %add3A_228 : i32
      "tpu.region"() ({
        %run_scoped3A = tpu.sem_alloc : memref<!tpu.dma_semaphore, #tpu.memory_space<semaphore_mem>>
        %dma_start3A_231 = arith.constant 0 : i32
        %dma_start3A_232 = tpu.memref_slice %arg9[%add3A_229, %dma_start3A_231] : memref<40x100xi32, #tpu.memory_space<vmem>> -> memref<1x100xi32, #tpu.memory_space<vmem>>
        %dma_start3A_233 = tpu.memref_squeeze %dma_start3A_232 : memref<1x100xi32, #tpu.memory_space<vmem>> -> memref<100xi32, #tpu.memory_space<vmem>>
        %dma_start3A_234 = arith.constant 0 : i32
        %dma_start3A_235 = arith.constant 0 : i32
        %dma_start3A_236 = tpu.memref_slice %arg12[%dma_start3A_234, %dma_start3A_235] : memref<10240x128xf32, #tpu.memory_space<vmem_shared>> -> memref<10240x128xf32, #tpu.memory_space<vmem_shared>>
        tpu.enqueue_indirect_dma source(%arg11 : memref<100x128xf32, #tpu.memory_space<vmem>>) target(%dma_start3A_236 : memref<10240x128xf32, #tpu.memory_space<vmem_shared>>) offsets(%dma_start3A_233 : memref<100xi32, #tpu.memory_space<vmem>>) semaphore(%run_scoped3A : memref<!tpu.dma_semaphore, #tpu.memory_space<semaphore_mem>>) {add = true}
        %dma_wait3A_237 = arith.constant 0 : i32
        %dma_wait3A_238 = tpu.memref_slice %arg9[%add3A_229, %dma_wait3A_237] : memref<40x100xi32, #tpu.memory_space<vmem>> -> memref<1x100xi32, #tpu.memory_space<vmem>>
        %dma_wait3A_239 = tpu.memref_squeeze %dma_wait3A_238 : memref<1x100xi32, #tpu.memory_space<vmem>> -> memref<100xi32, #tpu.memory_space<vmem>>
        %dma_wait3A_240 = arith.constant 0 : i32
        %dma_wait3A_241 = arith.constant 0 : i32
        %dma_wait3A_242 = tpu.memref_slice %arg12[%dma_wait3A_240, %dma_wait3A_241] : memref<10240x128xf32, #tpu.memory_space<vmem_shared>> -> memref<10240x128xf32, #tpu.memory_space<vmem_shared>>
        tpu.wait_indirect_dma semaphore(%run_scoped3A : memref<!tpu.dma_semaphore, #tpu.memory_space<semaphore_mem>>) src(%arg11 : memref<100x128xf32, #tpu.memory_space<vmem>>) dst(%dma_wait3A_242 : memref<10240x128xf32, #tpu.memory_space<vmem_shared>>)
        tpu.yield
      }) : () -> ()
      %scan3A_230 = arith.constant 0 : i32
      scf.yield %scan3A_230 : i32
    }
    %scan3A_167 = arith.constant 20 : i32
    %dma_wait3A_168 = arith.constant 0 : i32
    %dma_wait3A_169 = tpu.memref_slice %arg3[%add3A_143, %dma_wait3A_168] : memref<6400x100xi32, #tpu.memory_space<hbm>> -> memref<40x100xi32, #tpu.memory_space<hbm>>
    %dma_wait3A_170 = arith.constant 0 : i32
    %dma_wait3A_171 = tpu.memref_slice %arg3[%add3A_143, %dma_wait3A_170] : memref<6400x100xi32, #tpu.memory_space<hbm>> -> memref<40x100xi32, #tpu.memory_space<hbm>>
    tpu.wait_dma2 semaphore(%arg15 : memref<!tpu.dma_semaphore, #tpu.memory_space<semaphore_mem>>) src(%dma_wait3A_171 : memref<40x100xi32, #tpu.memory_space<hbm>>) dst(%arg6 : memref<40x100xi32, #tpu.memory_space<vmem>>)
    %dma_wait3A_172 = arith.constant 0 : i32
    %dma_wait3A_173 = tpu.memref_slice %arg4[%add3A_149, %dma_wait3A_172] : memref<3200x100xi32, #tpu.memory_space<hbm>> -> memref<40x100xi32, #tpu.memory_space<hbm>>
    %dma_wait3A_174 = arith.constant 0 : i32
    %dma_wait3A_175 = tpu.memref_slice %arg4[%add3A_149, %dma_wait3A_174] : memref<3200x100xi32, #tpu.memory_space<hbm>> -> memref<40x100xi32, #tpu.memory_space<hbm>>
    tpu.wait_dma2 semaphore(%arg15 : memref<!tpu.dma_semaphore, #tpu.memory_space<semaphore_mem>>) src(%dma_wait3A_175 : memref<40x100xi32, #tpu.memory_space<hbm>>) dst(%arg8 : memref<40x100xi32, #tpu.memory_space<vmem>>)
    %dma_start3A_176 = arith.constant 0 : i32
    %dma_start3A_177 = arith.constant 0 : i32
    %dma_start3A_178 = tpu.memref_slice %arg6[%dma_start3A_176, %dma_start3A_177] : memref<40x100xi32, #tpu.memory_space<vmem>> -> memref<1x100xi32, #tpu.memory_space<vmem>>
    %dma_start3A_179 = tpu.memref_squeeze %dma_start3A_178 : memref<1x100xi32, #tpu.memory_space<vmem>> -> memref<100xi32, #tpu.memory_space<vmem>>
    %dma_start3A_180 = arith.constant 0 : i32
    %dma_start3A_181 = arith.constant 0 : i32
    %dma_start3A_182 = tpu.memref_slice %arg2[%dma_start3A_180, %dma_start3A_181] : memref<180000x128xf32, #tpu.memory_space<hbm>> -> memref<180000x128xf32, #tpu.memory_space<hbm>>
    tpu.enqueue_indirect_dma source(%dma_start3A_182 : memref<180000x128xf32, #tpu.memory_space<hbm>>) target(%arg10 : memref<100x128xf32, #tpu.memory_space<vmem>>) offsets(%dma_start3A_179 : memref<100xi32, #tpu.memory_space<vmem>>) semaphore(%arg13 : memref<!tpu.dma_semaphore, #tpu.memory_space<semaphore_mem>>)
    %scan3A_183 = arith.constant 0 : i32
    %scan3A_184 = arith.constant 0 : i32
    %scan3A_185 = arith.constant 20 : i32
    %scan3A_186 = arith.addi %scan3A_184, %scan3A_185 : i32
    %scan3A_187 = arith.constant 1 : i32
    %scan3A_188 = scf.for %scan3A_198 = %scan3A_184 to %scan3A_186 step %scan3A_187 iter_args(%scan3A_199 = %scan3A_183) -> (i32)  : i32 {
      %mul3A_200 = arith.constant 2 : i32
      %mul3A_201 = arith.muli %scan3A_198, %mul3A_200 : i32
      %dma_wait3A_202 = arith.constant 0 : i32
      %dma_wait3A_203 = tpu.memref_slice %arg6[%mul3A_201, %dma_wait3A_202] : memref<40x100xi32, #tpu.memory_space<vmem>> -> memref<1x100xi32, #tpu.memory_space<vmem>>
      %dma_wait3A_204 = tpu.memref_squeeze %dma_wait3A_203 : memref<1x100xi32, #tpu.memory_space<vmem>> -> memref<100xi32, #tpu.memory_space<vmem>>
      %dma_wait3A_205 = arith.constant 0 : i32
      %dma_wait3A_206 = arith.constant 0 : i32
      %dma_wait3A_207 = tpu.memref_slice %arg2[%dma_wait3A_205, %dma_wait3A_206] : memref<180000x128xf32, #tpu.memory_space<hbm>> -> memref<180000x128xf32, #tpu.memory_space<hbm>>
      tpu.wait_indirect_dma semaphore(%arg13 : memref<!tpu.dma_semaphore, #tpu.memory_space<semaphore_mem>>) src(%dma_wait3A_207 : memref<180000x128xf32, #tpu.memory_space<hbm>>) dst(%arg10 : memref<100x128xf32, #tpu.memory_space<vmem>>)
      %add3A_208 = arith.constant 1 : i32
      %add3A_209 = arith.addi %mul3A_201, %add3A_208 : i32
      %dma_start3A_210 = arith.constant 0 : i32
      %dma_start3A_211 = tpu.memref_slice %arg6[%add3A_209, %dma_start3A_210] : memref<40x100xi32, #tpu.memory_space<vmem>> -> memref<1x100xi32, #tpu.memory_space<vmem>>
      %dma_start3A_212 = tpu.memref_squeeze %dma_start3A_211 : memref<1x100xi32, #tpu.memory_space<vmem>> -> memref<100xi32, #tpu.memory_space<vmem>>
      %dma_start3A_213 = arith.constant 0 : i32
      %dma_start3A_214 = arith.constant 0 : i32
      %dma_start3A_215 = tpu.memref_slice %arg2[%dma_start3A_213, %dma_start3A_214] : memref<180000x128xf32, #tpu.memory_space<hbm>> -> memref<180000x128xf32, #tpu.memory_space<hbm>>
      tpu.enqueue_indirect_dma source(%dma_start3A_215 : memref<180000x128xf32, #tpu.memory_space<hbm>>) target(%arg11 : memref<100x128xf32, #tpu.memory_space<vmem>>) offsets(%dma_start3A_212 : memref<100xi32, #tpu.memory_space<vmem>>) semaphore(%arg14 : memref<!tpu.dma_semaphore, #tpu.memory_space<semaphore_mem>>)
      "tpu.region"() ({
        %run_scoped3A = tpu.sem_alloc : memref<!tpu.dma_semaphore, #tpu.memory_space<semaphore_mem>>
        %dma_start3A_231 = arith.constant 0 : i32
        %dma_start3A_232 = tpu.memref_slice %arg8[%mul3A_201, %dma_start3A_231] : memref<40x100xi32, #tpu.memory_space<vmem>> -> memref<1x100xi32, #tpu.memory_space<vmem>>
        %dma_start3A_233 = tpu.memref_squeeze %dma_start3A_232 : memref<1x100xi32, #tpu.memory_space<vmem>> -> memref<100xi32, #tpu.memory_space<vmem>>
        %dma_start3A_234 = arith.constant 0 : i32
        %dma_start3A_235 = arith.constant 0 : i32
        %dma_start3A_236 = tpu.memref_slice %arg12[%dma_start3A_234, %dma_start3A_235] : memref<10240x128xf32, #tpu.memory_space<vmem_shared>> -> memref<10240x128xf32, #tpu.memory_space<vmem_shared>>
        tpu.enqueue_indirect_dma source(%arg10 : memref<100x128xf32, #tpu.memory_space<vmem>>) target(%dma_start3A_236 : memref<10240x128xf32, #tpu.memory_space<vmem_shared>>) offsets(%dma_start3A_233 : memref<100xi32, #tpu.memory_space<vmem>>) semaphore(%run_scoped3A : memref<!tpu.dma_semaphore, #tpu.memory_space<semaphore_mem>>) {add = true}
        %dma_wait3A_237 = arith.constant 0 : i32
        %dma_wait3A_238 = tpu.memref_slice %arg8[%mul3A_201, %dma_wait3A_237] : memref<40x100xi32, #tpu.memory_space<vmem>> -> memref<1x100xi32, #tpu.memory_space<vmem>>
        %dma_wait3A_239 = tpu.memref_squeeze %dma_wait3A_238 : memref<1x100xi32, #tpu.memory_space<vmem>> -> memref<100xi32, #tpu.memory_space<vmem>>
        %dma_wait3A_240 = arith.constant 0 : i32
        %dma_wait3A_241 = arith.constant 0 : i32
        %dma_wait3A_242 = tpu.memref_slice %arg12[%dma_wait3A_240, %dma_wait3A_241] : memref<10240x128xf32, #tpu.memory_space<vmem_shared>> -> memref<10240x128xf32, #tpu.memory_space<vmem_shared>>
        tpu.wait_indirect_dma semaphore(%run_scoped3A : memref<!tpu.dma_semaphore, #tpu.memory_space<semaphore_mem>>) src(%arg10 : memref<100x128xf32, #tpu.memory_space<vmem>>) dst(%dma_wait3A_242 : memref<10240x128xf32, #tpu.memory_space<vmem_shared>>)
        tpu.yield
      }) : () -> ()
      %add3A_216 = arith.constant 1 : i32
      %add3A_217 = arith.addi %mul3A_201, %add3A_216 : i32
      %dma_wait3A_218 = arith.constant 0 : i32
      %dma_wait3A_219 = tpu.memref_slice %arg6[%add3A_217, %dma_wait3A_218] : memref<40x100xi32, #tpu.memory_space<vmem>> -> memref<1x100xi32, #tpu.memory_space<vmem>>
      %dma_wait3A_220 = tpu.memref_squeeze %dma_wait3A_219 : memref<1x100xi32, #tpu.memory_space<vmem>> -> memref<100xi32, #tpu.memory_space<vmem>>
      %dma_wait3A_221 = arith.constant 0 : i32
      %dma_wait3A_222 = arith.constant 0 : i32
      %dma_wait3A_223 = tpu.memref_slice %arg2[%dma_wait3A_221, %dma_wait3A_222] : memref<180000x128xf32, #tpu.memory_space<hbm>> -> memref<180000x128xf32, #tpu.memory_space<hbm>>
      tpu.wait_indirect_dma semaphore(%arg14 : memref<!tpu.dma_semaphore, #tpu.memory_space<semaphore_mem>>) src(%dma_wait3A_223 : memref<180000x128xf32, #tpu.memory_space<hbm>>) dst(%arg11 : memref<100x128xf32, #tpu.memory_space<vmem>>)
      %add3A_224 = arith.constant 2 : i32
      %add3A_225 = arith.addi %mul3A_201, %add3A_224 : i32
      %lt3A = arith.constant 40 : i32
      %lt3A_226 = arith.cmpi slt, %add3A_225, %lt3A : i32
      %convert_element_type3A = arith.extui %lt3A_226 : i1 to i32
      %cond3A = arith.constant 0 : i32
      %cond3A_227 = arith.cmpi ne, %convert_element_type3A, %cond3A : i32
      scf.if %cond3A_227 {
        %add3A_231 = arith.constant 2 : i32
        %add3A_232 = arith.addi %mul3A_201, %add3A_231 : i32
        %dma_start3A_233 = arith.constant 0 : i32
        %dma_start3A_234 = tpu.memref_slice %arg6[%add3A_232, %dma_start3A_233] : memref<40x100xi32, #tpu.memory_space<vmem>> -> memref<1x100xi32, #tpu.memory_space<vmem>>
        %dma_start3A_235 = tpu.memref_squeeze %dma_start3A_234 : memref<1x100xi32, #tpu.memory_space<vmem>> -> memref<100xi32, #tpu.memory_space<vmem>>
        %dma_start3A_236 = arith.constant 0 : i32
        %dma_start3A_237 = arith.constant 0 : i32
        %dma_start3A_238 = tpu.memref_slice %arg2[%dma_start3A_236, %dma_start3A_237] : memref<180000x128xf32, #tpu.memory_space<hbm>> -> memref<180000x128xf32, #tpu.memory_space<hbm>>
        tpu.enqueue_indirect_dma source(%dma_start3A_238 : memref<180000x128xf32, #tpu.memory_space<hbm>>) target(%arg10 : memref<100x128xf32, #tpu.memory_space<vmem>>) offsets(%dma_start3A_235 : memref<100xi32, #tpu.memory_space<vmem>>) semaphore(%arg13 : memref<!tpu.dma_semaphore, #tpu.memory_space<semaphore_mem>>)
      } else {
      }
      %add3A_228 = arith.constant 1 : i32
      %add3A_229 = arith.addi %mul3A_201, %add3A_228 : i32
      "tpu.region"() ({
        %run_scoped3A = tpu.sem_alloc : memref<!tpu.dma_semaphore, #tpu.memory_space<semaphore_mem>>
        %dma_start3A_231 = arith.constant 0 : i32
        %dma_start3A_232 = tpu.memref_slice %arg8[%add3A_229, %dma_start3A_231] : memref<40x100xi32, #tpu.memory_space<vmem>> -> memref<1x100xi32, #tpu.memory_space<vmem>>
        %dma_start3A_233 = tpu.memref_squeeze %dma_start3A_232 : memref<1x100xi32, #tpu.memory_space<vmem>> -> memref<100xi32, #tpu.memory_space<vmem>>
        %dma_start3A_234 = arith.constant 0 : i32
        %dma_start3A_235 = arith.constant 0 : i32
        %dma_start3A_236 = tpu.memref_slice %arg12[%dma_start3A_234, %dma_start3A_235] : memref<10240x128xf32, #tpu.memory_space<vmem_shared>> -> memref<10240x128xf32, #tpu.memory_space<vmem_shared>>
        tpu.enqueue_indirect_dma source(%arg11 : memref<100x128xf32, #tpu.memory_space<vmem>>) target(%dma_start3A_236 : memref<10240x128xf32, #tpu.memory_space<vmem_shared>>) offsets(%dma_start3A_233 : memref<100xi32, #tpu.memory_space<vmem>>) semaphore(%run_scoped3A : memref<!tpu.dma_semaphore, #tpu.memory_space<semaphore_mem>>) {add = true}
        %dma_wait3A_237 = arith.constant 0 : i32
        %dma_wait3A_238 = tpu.memref_slice %arg8[%add3A_229, %dma_wait3A_237] : memref<40x100xi32, #tpu.memory_space<vmem>> -> memref<1x100xi32, #tpu.memory_space<vmem>>
        %dma_wait3A_239 = tpu.memref_squeeze %dma_wait3A_238 : memref<1x100xi32, #tpu.memory_space<vmem>> -> memref<100xi32, #tpu.memory_space<vmem>>
        %dma_wait3A_240 = arith.constant 0 : i32
        %dma_wait3A_241 = arith.constant 0 : i32
        %dma_wait3A_242 = tpu.memref_slice %arg12[%dma_wait3A_240, %dma_wait3A_241] : memref<10240x128xf32, #tpu.memory_space<vmem_shared>> -> memref<10240x128xf32, #tpu.memory_space<vmem_shared>>
        tpu.wait_indirect_dma semaphore(%run_scoped3A : memref<!tpu.dma_semaphore, #tpu.memory_space<semaphore_mem>>) src(%arg11 : memref<100x128xf32, #tpu.memory_space<vmem>>) dst(%dma_wait3A_242 : memref<10240x128xf32, #tpu.memory_space<vmem_shared>>)
        tpu.yield
      }) : () -> ()
      %scan3A_230 = arith.constant 0 : i32
      scf.yield %scan3A_230 : i32
    }
    %scan3A_189 = arith.constant 20 : i32
    %barrier3A_190 = arith.constant 0 : index
    tpu.barrier barrier_id(%barrier3A_190)
    %mul3A_191 = arith.constant 640 : i32
    %mul3A_192 = arith.muli %arg1, %mul3A_191 : i32
    %mul3A_193 = arith.constant 10240 : i32
    %mul3A_194 = arith.muli %arg0, %mul3A_193 : i32
    %mul3A_195 = arith.constant 640 : i32
    %mul3A_196 = arith.muli %arg1, %mul3A_195 : i32
    %add3A_197 = arith.addi %mul3A_194, %mul3A_196 : i32
    "tpu.region"() ({
      %run_scoped3A = tpu.sem_alloc : memref<!tpu.dma_semaphore, #tpu.memory_space<semaphore_mem>>
      %dma_start3A_198 = arith.constant 0 : i32
      %dma_start3A_199 = tpu.memref_slice %arg5[%add3A_197, %dma_start3A_198] : memref<20480x128xf32, #tpu.memory_space<hbm>> -> memref<640x128xf32, #tpu.memory_space<hbm>>
      %dma_start3A_200 = arith.constant 0 : i32
      %dma_start3A_201 = tpu.memref_slice %arg12[%mul3A_192, %dma_start3A_200] : memref<10240x128xf32, #tpu.memory_space<vmem_shared>> -> memref<640x128xf32, #tpu.memory_space<vmem_shared>>
      tpu.enqueue_dma source(%dma_start3A_201 : memref<640x128xf32, #tpu.memory_space<vmem_shared>>) target(%dma_start3A_199 : memref<640x128xf32, #tpu.memory_space<hbm>>) target_semaphore(%run_scoped3A : memref<!tpu.dma_semaphore, #tpu.memory_space<semaphore_mem>>)
      %dma_wait3A_202 = arith.constant 0 : i32
      %dma_wait3A_203 = tpu.memref_slice %arg5[%add3A_197, %dma_wait3A_202] : memref<20480x128xf32, #tpu.memory_space<hbm>> -> memref<640x128xf32, #tpu.memory_space<hbm>>
      %dma_wait3A_204 = arith.constant 0 : i32
      %dma_wait3A_205 = tpu.memref_slice %arg12[%mul3A_192, %dma_wait3A_204] : memref<10240x128xf32, #tpu.memory_space<vmem_shared>> -> memref<640x128xf32, #tpu.memory_space<vmem_shared>>
      tpu.wait_dma2 semaphore(%run_scoped3A : memref<!tpu.dma_semaphore, #tpu.memory_space<semaphore_mem>>) src(%dma_wait3A_205 : memref<640x128xf32, #tpu.memory_space<vmem_shared>>) dst(%dma_wait3A_203 : memref<640x128xf32, #tpu.memory_space<hbm>>)
      tpu.yield
    }) : () -> ()
    return
  }
}

module attributes {stable_mosaic.version = 14 : i64} {
  func.func @_msg_body(%arg0: i32, %arg1: memref<400x128xf32, #tpu.memory_space<vmem>>, %arg2: memref<400x1xf32, #tpu.memory_space<vmem>>, %arg3: memref<18x128x128xf32, #tpu.memory_space<vmem>>, %arg4: memref<2500x128xi32, #tpu.memory_space<vmem>>, %arg5: memref<2500x128xi32, #tpu.memory_space<vmem>>, %arg6: memref<18x400x128xf32, #tpu.memory_space<vmem>>, %arg7: memref<2x2500x128xi32, #tpu.memory_space<vmem>>) attributes {dimension_semantics = [#tpu.dimension_semantics<arbitrary>], iteration_bounds = array<i64: 25>, scalar_prefetch = 0 : i64, scratch_operands = 0 : i64, tpu.core_type = #tpu.core_type<tc>, window_params = [{transform_indices = @transform_0, window_bounds = array<i64: 400, 128>}, {transform_indices = @transform_1, window_bounds = array<i64: 400, 1>}, {pipeline_mode = #tpu.pipeline_mode<synchronous>, transform_indices = @transform_2, window_bounds = array<i64: 18, 128, 128>}, {pipeline_mode = #tpu.pipeline_mode<synchronous>, transform_indices = @transform_3, window_bounds = array<i64: 2500, 128>}, {pipeline_mode = #tpu.pipeline_mode<synchronous>, transform_indices = @transform_4, window_bounds = array<i64: 2500, 128>}, {transform_indices = @transform_5, window_bounds = array<i64: 18, 400, 128>}, {pipeline_mode = #tpu.pipeline_mode<synchronous>, transform_indices = @transform_6, window_bounds = array<i64: 2, 2500, 128>}]} {
    %get3A = arith.constant 0 : index
    %get3A_0 = arith.constant 0 : index
    %get3A_1 = vector.load %arg1[%get3A, %get3A_0] : memref<400x128xf32, #tpu.memory_space<vmem>>, vector<400x128xf32>
    %get3A_2 = arith.constant 0 : index
    %get3A_3 = arith.constant 0 : index
    %get3A_4 = vector.load %arg2[%get3A_2, %get3A_3] : memref<400x1xf32, #tpu.memory_space<vmem>>, vector<400x1xf32>
    %mul3A = vector.broadcast %get3A_4 : vector<400x1xf32> to vector<400x128xf32>
    %mul3A_5 = arith.mulf %get3A_1, %mul3A : vector<400x128xf32>
    %get3A_6 = arith.constant 0 : index
    %get3A_7 = arith.constant 0 : index
    %get3A_8 = arith.constant 0 : index
    %get3A_9 = vector.load %arg3[%get3A_6, %get3A_7, %get3A_8] : memref<18x128x128xf32, #tpu.memory_space<vmem>>, vector<1x128x128xf32>
    %get3A_10 = vector.shape_cast %get3A_9 : vector<1x128x128xf32> to vector<128x128xf32>
    %dot_general3A = arith.constant dense<0.000000e+00> : vector<400x128xf32>
    %dot_general3A_11 = tpu.matmul %mul3A_5, %get3A_10, %dot_general3A {dimension_numbers = #tpu.dot_dimension_numbers<[1], [0], [0], [1], [0, 0, 1, 1], [], []>, transpose_lhs_hint = false} : vector<400x128xf32>, vector<128x128xf32>, vector<400x128xf32> -> vector<400x128xf32>
    %swap3A = arith.constant 0 : index
    %swap3A_12 = arith.constant 0 : index
    %swap3A_13 = arith.constant 0 : index
    %swap3A_14 = vector.load %arg6[%swap3A, %swap3A_12, %swap3A_13] : memref<18x400x128xf32, #tpu.memory_space<vmem>>, vector<1x400x128xf32>
    %swap3A_15 = vector.shape_cast %swap3A_14 : vector<1x400x128xf32> to vector<400x128xf32>
    %swap3A_16 = vector.shape_cast %dot_general3A_11 : vector<400x128xf32> to vector<1x400x128xf32>
    tpu.vector_store %arg6[%swap3A, %swap3A_12, %swap3A_13], %swap3A_16 {strides = array<i32>} : memref<18x400x128xf32, #tpu.memory_space<vmem>>, vector<1x400x128xf32>,
    %get3A_17 = arith.constant 1 : index
    %get3A_18 = arith.constant 0 : index
    %get3A_19 = arith.constant 0 : index
    %get3A_20 = vector.load %arg3[%get3A_17, %get3A_18, %get3A_19] : memref<18x128x128xf32, #tpu.memory_space<vmem>>, vector<1x128x128xf32>
    %get3A_21 = vector.shape_cast %get3A_20 : vector<1x128x128xf32> to vector<128x128xf32>
    %dot_general3A_22 = arith.constant dense<0.000000e+00> : vector<400x128xf32>
    %dot_general3A_23 = tpu.matmul %mul3A_5, %get3A_21, %dot_general3A_22 {dimension_numbers = #tpu.dot_dimension_numbers<[1], [0], [0], [1], [0, 0, 1, 1], [], []>, transpose_lhs_hint = false} : vector<400x128xf32>, vector<128x128xf32>, vector<400x128xf32> -> vector<400x128xf32>
    %swap3A_24 = arith.constant 1 : index
    %swap3A_25 = arith.constant 0 : index
    %swap3A_26 = arith.constant 0 : index
    %swap3A_27 = vector.load %arg6[%swap3A_24, %swap3A_25, %swap3A_26] : memref<18x400x128xf32, #tpu.memory_space<vmem>>, vector<1x400x128xf32>
    %swap3A_28 = vector.shape_cast %swap3A_27 : vector<1x400x128xf32> to vector<400x128xf32>
    %swap3A_29 = vector.shape_cast %dot_general3A_23 : vector<400x128xf32> to vector<1x400x128xf32>
    tpu.vector_store %arg6[%swap3A_24, %swap3A_25, %swap3A_26], %swap3A_29 {strides = array<i32>} : memref<18x400x128xf32, #tpu.memory_space<vmem>>, vector<1x400x128xf32>,
    %get3A_30 = arith.constant 2 : index
    %get3A_31 = arith.constant 0 : index
    %get3A_32 = arith.constant 0 : index
    %get3A_33 = vector.load %arg3[%get3A_30, %get3A_31, %get3A_32] : memref<18x128x128xf32, #tpu.memory_space<vmem>>, vector<1x128x128xf32>
    %get3A_34 = vector.shape_cast %get3A_33 : vector<1x128x128xf32> to vector<128x128xf32>
    %dot_general3A_35 = arith.constant dense<0.000000e+00> : vector<400x128xf32>
    %dot_general3A_36 = tpu.matmul %mul3A_5, %get3A_34, %dot_general3A_35 {dimension_numbers = #tpu.dot_dimension_numbers<[1], [0], [0], [1], [0, 0, 1, 1], [], []>, transpose_lhs_hint = false} : vector<400x128xf32>, vector<128x128xf32>, vector<400x128xf32> -> vector<400x128xf32>
    %swap3A_37 = arith.constant 2 : index
    %swap3A_38 = arith.constant 0 : index
    %swap3A_39 = arith.constant 0 : index
    %swap3A_40 = vector.load %arg6[%swap3A_37, %swap3A_38, %swap3A_39] : memref<18x400x128xf32, #tpu.memory_space<vmem>>, vector<1x400x128xf32>
    %swap3A_41 = vector.shape_cast %swap3A_40 : vector<1x400x128xf32> to vector<400x128xf32>
    %swap3A_42 = vector.shape_cast %dot_general3A_36 : vector<400x128xf32> to vector<1x400x128xf32>
    tpu.vector_store %arg6[%swap3A_37, %swap3A_38, %swap3A_39], %swap3A_42 {strides = array<i32>} : memref<18x400x128xf32, #tpu.memory_space<vmem>>, vector<1x400x128xf32>,
    %get3A_43 = arith.constant 3 : index
    %get3A_44 = arith.constant 0 : index
    %get3A_45 = arith.constant 0 : index
    %get3A_46 = vector.load %arg3[%get3A_43, %get3A_44, %get3A_45] : memref<18x128x128xf32, #tpu.memory_space<vmem>>, vector<1x128x128xf32>
    %get3A_47 = vector.shape_cast %get3A_46 : vector<1x128x128xf32> to vector<128x128xf32>
    %dot_general3A_48 = arith.constant dense<0.000000e+00> : vector<400x128xf32>
    %dot_general3A_49 = tpu.matmul %mul3A_5, %get3A_47, %dot_general3A_48 {dimension_numbers = #tpu.dot_dimension_numbers<[1], [0], [0], [1], [0, 0, 1, 1], [], []>, transpose_lhs_hint = false} : vector<400x128xf32>, vector<128x128xf32>, vector<400x128xf32> -> vector<400x128xf32>
    %swap3A_50 = arith.constant 3 : index
    %swap3A_51 = arith.constant 0 : index
    %swap3A_52 = arith.constant 0 : index
    %swap3A_53 = vector.load %arg6[%swap3A_50, %swap3A_51, %swap3A_52] : memref<18x400x128xf32, #tpu.memory_space<vmem>>, vector<1x400x128xf32>
    %swap3A_54 = vector.shape_cast %swap3A_53 : vector<1x400x128xf32> to vector<400x128xf32>
    %swap3A_55 = vector.shape_cast %dot_general3A_49 : vector<400x128xf32> to vector<1x400x128xf32>
    tpu.vector_store %arg6[%swap3A_50, %swap3A_51, %swap3A_52], %swap3A_55 {strides = array<i32>} : memref<18x400x128xf32, #tpu.memory_space<vmem>>, vector<1x400x128xf32>,
    %get3A_56 = arith.constant 4 : index
    %get3A_57 = arith.constant 0 : index
    %get3A_58 = arith.constant 0 : index
    %get3A_59 = vector.load %arg3[%get3A_56, %get3A_57, %get3A_58] : memref<18x128x128xf32, #tpu.memory_space<vmem>>, vector<1x128x128xf32>
    %get3A_60 = vector.shape_cast %get3A_59 : vector<1x128x128xf32> to vector<128x128xf32>
    %dot_general3A_61 = arith.constant dense<0.000000e+00> : vector<400x128xf32>
    %dot_general3A_62 = tpu.matmul %mul3A_5, %get3A_60, %dot_general3A_61 {dimension_numbers = #tpu.dot_dimension_numbers<[1], [0], [0], [1], [0, 0, 1, 1], [], []>, transpose_lhs_hint = false} : vector<400x128xf32>, vector<128x128xf32>, vector<400x128xf32> -> vector<400x128xf32>
    %swap3A_63 = arith.constant 4 : index
    %swap3A_64 = arith.constant 0 : index
    %swap3A_65 = arith.constant 0 : index
    %swap3A_66 = vector.load %arg6[%swap3A_63, %swap3A_64, %swap3A_65] : memref<18x400x128xf32, #tpu.memory_space<vmem>>, vector<1x400x128xf32>
    %swap3A_67 = vector.shape_cast %swap3A_66 : vector<1x400x128xf32> to vector<400x128xf32>
    %swap3A_68 = vector.shape_cast %dot_general3A_62 : vector<400x128xf32> to vector<1x400x128xf32>
    tpu.vector_store %arg6[%swap3A_63, %swap3A_64, %swap3A_65], %swap3A_68 {strides = array<i32>} : memref<18x400x128xf32, #tpu.memory_space<vmem>>, vector<1x400x128xf32>,
    %get3A_69 = arith.constant 5 : index
    %get3A_70 = arith.constant 0 : index
    %get3A_71 = arith.constant 0 : index
    %get3A_72 = vector.load %arg3[%get3A_69, %get3A_70, %get3A_71] : memref<18x128x128xf32, #tpu.memory_space<vmem>>, vector<1x128x128xf32>
    %get3A_73 = vector.shape_cast %get3A_72 : vector<1x128x128xf32> to vector<128x128xf32>
    %dot_general3A_74 = arith.constant dense<0.000000e+00> : vector<400x128xf32>
    %dot_general3A_75 = tpu.matmul %mul3A_5, %get3A_73, %dot_general3A_74 {dimension_numbers = #tpu.dot_dimension_numbers<[1], [0], [0], [1], [0, 0, 1, 1], [], []>, transpose_lhs_hint = false} : vector<400x128xf32>, vector<128x128xf32>, vector<400x128xf32> -> vector<400x128xf32>
    %swap3A_76 = arith.constant 5 : index
    %swap3A_77 = arith.constant 0 : index
    %swap3A_78 = arith.constant 0 : index
    %swap3A_79 = vector.load %arg6[%swap3A_76, %swap3A_77, %swap3A_78] : memref<18x400x128xf32, #tpu.memory_space<vmem>>, vector<1x400x128xf32>
    %swap3A_80 = vector.shape_cast %swap3A_79 : vector<1x400x128xf32> to vector<400x128xf32>
    %swap3A_81 = vector.shape_cast %dot_general3A_75 : vector<400x128xf32> to vector<1x400x128xf32>
    tpu.vector_store %arg6[%swap3A_76, %swap3A_77, %swap3A_78], %swap3A_81 {strides = array<i32>} : memref<18x400x128xf32, #tpu.memory_space<vmem>>, vector<1x400x128xf32>,
    %get3A_82 = arith.constant 6 : index
    %get3A_83 = arith.constant 0 : index
    %get3A_84 = arith.constant 0 : index
    %get3A_85 = vector.load %arg3[%get3A_82, %get3A_83, %get3A_84] : memref<18x128x128xf32, #tpu.memory_space<vmem>>, vector<1x128x128xf32>
    %get3A_86 = vector.shape_cast %get3A_85 : vector<1x128x128xf32> to vector<128x128xf32>
    %dot_general3A_87 = arith.constant dense<0.000000e+00> : vector<400x128xf32>
    %dot_general3A_88 = tpu.matmul %mul3A_5, %get3A_86, %dot_general3A_87 {dimension_numbers = #tpu.dot_dimension_numbers<[1], [0], [0], [1], [0, 0, 1, 1], [], []>, transpose_lhs_hint = false} : vector<400x128xf32>, vector<128x128xf32>, vector<400x128xf32> -> vector<400x128xf32>
    %swap3A_89 = arith.constant 6 : index
    %swap3A_90 = arith.constant 0 : index
    %swap3A_91 = arith.constant 0 : index
    %swap3A_92 = vector.load %arg6[%swap3A_89, %swap3A_90, %swap3A_91] : memref<18x400x128xf32, #tpu.memory_space<vmem>>, vector<1x400x128xf32>
    %swap3A_93 = vector.shape_cast %swap3A_92 : vector<1x400x128xf32> to vector<400x128xf32>
    %swap3A_94 = vector.shape_cast %dot_general3A_88 : vector<400x128xf32> to vector<1x400x128xf32>
    tpu.vector_store %arg6[%swap3A_89, %swap3A_90, %swap3A_91], %swap3A_94 {strides = array<i32>} : memref<18x400x128xf32, #tpu.memory_space<vmem>>, vector<1x400x128xf32>,
    %get3A_95 = arith.constant 7 : index
    %get3A_96 = arith.constant 0 : index
    %get3A_97 = arith.constant 0 : index
    %get3A_98 = vector.load %arg3[%get3A_95, %get3A_96, %get3A_97] : memref<18x128x128xf32, #tpu.memory_space<vmem>>, vector<1x128x128xf32>
    %get3A_99 = vector.shape_cast %get3A_98 : vector<1x128x128xf32> to vector<128x128xf32>
    %dot_general3A_100 = arith.constant dense<0.000000e+00> : vector<400x128xf32>
    %dot_general3A_101 = tpu.matmul %mul3A_5, %get3A_99, %dot_general3A_100 {dimension_numbers = #tpu.dot_dimension_numbers<[1], [0], [0], [1], [0, 0, 1, 1], [], []>, transpose_lhs_hint = false} : vector<400x128xf32>, vector<128x128xf32>, vector<400x128xf32> -> vector<400x128xf32>
    %swap3A_102 = arith.constant 7 : index
    %swap3A_103 = arith.constant 0 : index
    %swap3A_104 = arith.constant 0 : index
    %swap3A_105 = vector.load %arg6[%swap3A_102, %swap3A_103, %swap3A_104] : memref<18x400x128xf32, #tpu.memory_space<vmem>>, vector<1x400x128xf32>
    %swap3A_106 = vector.shape_cast %swap3A_105 : vector<1x400x128xf32> to vector<400x128xf32>
    %swap3A_107 = vector.shape_cast %dot_general3A_101 : vector<400x128xf32> to vector<1x400x128xf32>
    tpu.vector_store %arg6[%swap3A_102, %swap3A_103, %swap3A_104], %swap3A_107 {strides = array<i32>} : memref<18x400x128xf32, #tpu.memory_space<vmem>>, vector<1x400x128xf32>,
    %get3A_108 = arith.constant 8 : index
    %get3A_109 = arith.constant 0 : index
    %get3A_110 = arith.constant 0 : index
    %get3A_111 = vector.load %arg3[%get3A_108, %get3A_109, %get3A_110] : memref<18x128x128xf32, #tpu.memory_space<vmem>>, vector<1x128x128xf32>
    %get3A_112 = vector.shape_cast %get3A_111 : vector<1x128x128xf32> to vector<128x128xf32>
    %dot_general3A_113 = arith.constant dense<0.000000e+00> : vector<400x128xf32>
    %dot_general3A_114 = tpu.matmul %mul3A_5, %get3A_112, %dot_general3A_113 {dimension_numbers = #tpu.dot_dimension_numbers<[1], [0], [0], [1], [0, 0, 1, 1], [], []>, transpose_lhs_hint = false} : vector<400x128xf32>, vector<128x128xf32>, vector<400x128xf32> -> vector<400x128xf32>
    %swap3A_115 = arith.constant 8 : index
    %swap3A_116 = arith.constant 0 : index
    %swap3A_117 = arith.constant 0 : index
    %swap3A_118 = vector.load %arg6[%swap3A_115, %swap3A_116, %swap3A_117] : memref<18x400x128xf32, #tpu.memory_space<vmem>>, vector<1x400x128xf32>
    %swap3A_119 = vector.shape_cast %swap3A_118 : vector<1x400x128xf32> to vector<400x128xf32>
    %swap3A_120 = vector.shape_cast %dot_general3A_114 : vector<400x128xf32> to vector<1x400x128xf32>
    tpu.vector_store %arg6[%swap3A_115, %swap3A_116, %swap3A_117], %swap3A_120 {strides = array<i32>} : memref<18x400x128xf32, #tpu.memory_space<vmem>>, vector<1x400x128xf32>,
    %get3A_121 = arith.constant 9 : index
    %get3A_122 = arith.constant 0 : index
    %get3A_123 = arith.constant 0 : index
    %get3A_124 = vector.load %arg3[%get3A_121, %get3A_122, %get3A_123] : memref<18x128x128xf32, #tpu.memory_space<vmem>>, vector<1x128x128xf32>
    %get3A_125 = vector.shape_cast %get3A_124 : vector<1x128x128xf32> to vector<128x128xf32>
    %dot_general3A_126 = arith.constant dense<0.000000e+00> : vector<400x128xf32>
    %dot_general3A_127 = tpu.matmul %mul3A_5, %get3A_125, %dot_general3A_126 {dimension_numbers = #tpu.dot_dimension_numbers<[1], [0], [0], [1], [0, 0, 1, 1], [], []>, transpose_lhs_hint = false} : vector<400x128xf32>, vector<128x128xf32>, vector<400x128xf32> -> vector<400x128xf32>
    %swap3A_128 = arith.constant 9 : index
    %swap3A_129 = arith.constant 0 : index
    %swap3A_130 = arith.constant 0 : index
    %swap3A_131 = vector.load %arg6[%swap3A_128, %swap3A_129, %swap3A_130] : memref<18x400x128xf32, #tpu.memory_space<vmem>>, vector<1x400x128xf32>
    %swap3A_132 = vector.shape_cast %swap3A_131 : vector<1x400x128xf32> to vector<400x128xf32>
    %swap3A_133 = vector.shape_cast %dot_general3A_127 : vector<400x128xf32> to vector<1x400x128xf32>
    tpu.vector_store %arg6[%swap3A_128, %swap3A_129, %swap3A_130], %swap3A_133 {strides = array<i32>} : memref<18x400x128xf32, #tpu.memory_space<vmem>>, vector<1x400x128xf32>,
    %get3A_134 = arith.constant 10 : index
    %get3A_135 = arith.constant 0 : index
    %get3A_136 = arith.constant 0 : index
    %get3A_137 = vector.load %arg3[%get3A_134, %get3A_135, %get3A_136] : memref<18x128x128xf32, #tpu.memory_space<vmem>>, vector<1x128x128xf32>
    %get3A_138 = vector.shape_cast %get3A_137 : vector<1x128x128xf32> to vector<128x128xf32>
    %dot_general3A_139 = arith.constant dense<0.000000e+00> : vector<400x128xf32>
    %dot_general3A_140 = tpu.matmul %mul3A_5, %get3A_138, %dot_general3A_139 {dimension_numbers = #tpu.dot_dimension_numbers<[1], [0], [0], [1], [0, 0, 1, 1], [], []>, transpose_lhs_hint = false} : vector<400x128xf32>, vector<128x128xf32>, vector<400x128xf32> -> vector<400x128xf32>
    %swap3A_141 = arith.constant 10 : index
    %swap3A_142 = arith.constant 0 : index
    %swap3A_143 = arith.constant 0 : index
    %swap3A_144 = vector.load %arg6[%swap3A_141, %swap3A_142, %swap3A_143] : memref<18x400x128xf32, #tpu.memory_space<vmem>>, vector<1x400x128xf32>
    %swap3A_145 = vector.shape_cast %swap3A_144 : vector<1x400x128xf32> to vector<400x128xf32>
    %swap3A_146 = vector.shape_cast %dot_general3A_140 : vector<400x128xf32> to vector<1x400x128xf32>
    tpu.vector_store %arg6[%swap3A_141, %swap3A_142, %swap3A_143], %swap3A_146 {strides = array<i32>} : memref<18x400x128xf32, #tpu.memory_space<vmem>>, vector<1x400x128xf32>,
    %get3A_147 = arith.constant 11 : index
    %get3A_148 = arith.constant 0 : index
    %get3A_149 = arith.constant 0 : index
    %get3A_150 = vector.load %arg3[%get3A_147, %get3A_148, %get3A_149] : memref<18x128x128xf32, #tpu.memory_space<vmem>>, vector<1x128x128xf32>
    %get3A_151 = vector.shape_cast %get3A_150 : vector<1x128x128xf32> to vector<128x128xf32>
    %dot_general3A_152 = arith.constant dense<0.000000e+00> : vector<400x128xf32>
    %dot_general3A_153 = tpu.matmul %mul3A_5, %get3A_151, %dot_general3A_152 {dimension_numbers = #tpu.dot_dimension_numbers<[1], [0], [0], [1], [0, 0, 1, 1], [], []>, transpose_lhs_hint = false} : vector<400x128xf32>, vector<128x128xf32>, vector<400x128xf32> -> vector<400x128xf32>
    %swap3A_154 = arith.constant 11 : index
    %swap3A_155 = arith.constant 0 : index
    %swap3A_156 = arith.constant 0 : index
    %swap3A_157 = vector.load %arg6[%swap3A_154, %swap3A_155, %swap3A_156] : memref<18x400x128xf32, #tpu.memory_space<vmem>>, vector<1x400x128xf32>
    %swap3A_158 = vector.shape_cast %swap3A_157 : vector<1x400x128xf32> to vector<400x128xf32>
    %swap3A_159 = vector.shape_cast %dot_general3A_153 : vector<400x128xf32> to vector<1x400x128xf32>
    tpu.vector_store %arg6[%swap3A_154, %swap3A_155, %swap3A_156], %swap3A_159 {strides = array<i32>} : memref<18x400x128xf32, #tpu.memory_space<vmem>>, vector<1x400x128xf32>,
    %get3A_160 = arith.constant 12 : index
    %get3A_161 = arith.constant 0 : index
    %get3A_162 = arith.constant 0 : index
    %get3A_163 = vector.load %arg3[%get3A_160, %get3A_161, %get3A_162] : memref<18x128x128xf32, #tpu.memory_space<vmem>>, vector<1x128x128xf32>
    %get3A_164 = vector.shape_cast %get3A_163 : vector<1x128x128xf32> to vector<128x128xf32>
    %dot_general3A_165 = arith.constant dense<0.000000e+00> : vector<400x128xf32>
    %dot_general3A_166 = tpu.matmul %mul3A_5, %get3A_164, %dot_general3A_165 {dimension_numbers = #tpu.dot_dimension_numbers<[1], [0], [0], [1], [0, 0, 1, 1], [], []>, transpose_lhs_hint = false} : vector<400x128xf32>, vector<128x128xf32>, vector<400x128xf32> -> vector<400x128xf32>
    %swap3A_167 = arith.constant 12 : index
    %swap3A_168 = arith.constant 0 : index
    %swap3A_169 = arith.constant 0 : index
    %swap3A_170 = vector.load %arg6[%swap3A_167, %swap3A_168, %swap3A_169] : memref<18x400x128xf32, #tpu.memory_space<vmem>>, vector<1x400x128xf32>
    %swap3A_171 = vector.shape_cast %swap3A_170 : vector<1x400x128xf32> to vector<400x128xf32>
    %swap3A_172 = vector.shape_cast %dot_general3A_166 : vector<400x128xf32> to vector<1x400x128xf32>
    tpu.vector_store %arg6[%swap3A_167, %swap3A_168, %swap3A_169], %swap3A_172 {strides = array<i32>} : memref<18x400x128xf32, #tpu.memory_space<vmem>>, vector<1x400x128xf32>,
    %get3A_173 = arith.constant 13 : index
    %get3A_174 = arith.constant 0 : index
    %get3A_175 = arith.constant 0 : index
    %get3A_176 = vector.load %arg3[%get3A_173, %get3A_174, %get3A_175] : memref<18x128x128xf32, #tpu.memory_space<vmem>>, vector<1x128x128xf32>
    %get3A_177 = vector.shape_cast %get3A_176 : vector<1x128x128xf32> to vector<128x128xf32>
    %dot_general3A_178 = arith.constant dense<0.000000e+00> : vector<400x128xf32>
    %dot_general3A_179 = tpu.matmul %mul3A_5, %get3A_177, %dot_general3A_178 {dimension_numbers = #tpu.dot_dimension_numbers<[1], [0], [0], [1], [0, 0, 1, 1], [], []>, transpose_lhs_hint = false} : vector<400x128xf32>, vector<128x128xf32>, vector<400x128xf32> -> vector<400x128xf32>
    %swap3A_180 = arith.constant 13 : index
    %swap3A_181 = arith.constant 0 : index
    %swap3A_182 = arith.constant 0 : index
    %swap3A_183 = vector.load %arg6[%swap3A_180, %swap3A_181, %swap3A_182] : memref<18x400x128xf32, #tpu.memory_space<vmem>>, vector<1x400x128xf32>
    %swap3A_184 = vector.shape_cast %swap3A_183 : vector<1x400x128xf32> to vector<400x128xf32>
    %swap3A_185 = vector.shape_cast %dot_general3A_179 : vector<400x128xf32> to vector<1x400x128xf32>
    tpu.vector_store %arg6[%swap3A_180, %swap3A_181, %swap3A_182], %swap3A_185 {strides = array<i32>} : memref<18x400x128xf32, #tpu.memory_space<vmem>>, vector<1x400x128xf32>,
    %get3A_186 = arith.constant 14 : index
    %get3A_187 = arith.constant 0 : index
    %get3A_188 = arith.constant 0 : index
    %get3A_189 = vector.load %arg3[%get3A_186, %get3A_187, %get3A_188] : memref<18x128x128xf32, #tpu.memory_space<vmem>>, vector<1x128x128xf32>
    %get3A_190 = vector.shape_cast %get3A_189 : vector<1x128x128xf32> to vector<128x128xf32>
    %dot_general3A_191 = arith.constant dense<0.000000e+00> : vector<400x128xf32>
    %dot_general3A_192 = tpu.matmul %mul3A_5, %get3A_190, %dot_general3A_191 {dimension_numbers = #tpu.dot_dimension_numbers<[1], [0], [0], [1], [0, 0, 1, 1], [], []>, transpose_lhs_hint = false} : vector<400x128xf32>, vector<128x128xf32>, vector<400x128xf32> -> vector<400x128xf32>
    %swap3A_193 = arith.constant 14 : index
    %swap3A_194 = arith.constant 0 : index
    %swap3A_195 = arith.constant 0 : index
    %swap3A_196 = vector.load %arg6[%swap3A_193, %swap3A_194, %swap3A_195] : memref<18x400x128xf32, #tpu.memory_space<vmem>>, vector<1x400x128xf32>
    %swap3A_197 = vector.shape_cast %swap3A_196 : vector<1x400x128xf32> to vector<400x128xf32>
    %swap3A_198 = vector.shape_cast %dot_general3A_192 : vector<400x128xf32> to vector<1x400x128xf32>
    tpu.vector_store %arg6[%swap3A_193, %swap3A_194, %swap3A_195], %swap3A_198 {strides = array<i32>} : memref<18x400x128xf32, #tpu.memory_space<vmem>>, vector<1x400x128xf32>,
    %get3A_199 = arith.constant 15 : index
    %get3A_200 = arith.constant 0 : index
    %get3A_201 = arith.constant 0 : index
    %get3A_202 = vector.load %arg3[%get3A_199, %get3A_200, %get3A_201] : memref<18x128x128xf32, #tpu.memory_space<vmem>>, vector<1x128x128xf32>
    %get3A_203 = vector.shape_cast %get3A_202 : vector<1x128x128xf32> to vector<128x128xf32>
    %dot_general3A_204 = arith.constant dense<0.000000e+00> : vector<400x128xf32>
    %dot_general3A_205 = tpu.matmul %mul3A_5, %get3A_203, %dot_general3A_204 {dimension_numbers = #tpu.dot_dimension_numbers<[1], [0], [0], [1], [0, 0, 1, 1], [], []>, transpose_lhs_hint = false} : vector<400x128xf32>, vector<128x128xf32>, vector<400x128xf32> -> vector<400x128xf32>
    %swap3A_206 = arith.constant 15 : index
    %swap3A_207 = arith.constant 0 : index
    %swap3A_208 = arith.constant 0 : index
    %swap3A_209 = vector.load %arg6[%swap3A_206, %swap3A_207, %swap3A_208] : memref<18x400x128xf32, #tpu.memory_space<vmem>>, vector<1x400x128xf32>
    %swap3A_210 = vector.shape_cast %swap3A_209 : vector<1x400x128xf32> to vector<400x128xf32>
    %swap3A_211 = vector.shape_cast %dot_general3A_205 : vector<400x128xf32> to vector<1x400x128xf32>
    tpu.vector_store %arg6[%swap3A_206, %swap3A_207, %swap3A_208], %swap3A_211 {strides = array<i32>} : memref<18x400x128xf32, #tpu.memory_space<vmem>>, vector<1x400x128xf32>,
    %get3A_212 = arith.constant 16 : index
    %get3A_213 = arith.constant 0 : index
    %get3A_214 = arith.constant 0 : index
    %get3A_215 = vector.load %arg3[%get3A_212, %get3A_213, %get3A_214] : memref<18x128x128xf32, #tpu.memory_space<vmem>>, vector<1x128x128xf32>
    %get3A_216 = vector.shape_cast %get3A_215 : vector<1x128x128xf32> to vector<128x128xf32>
    %dot_general3A_217 = arith.constant dense<0.000000e+00> : vector<400x128xf32>
    %dot_general3A_218 = tpu.matmul %mul3A_5, %get3A_216, %dot_general3A_217 {dimension_numbers = #tpu.dot_dimension_numbers<[1], [0], [0], [1], [0, 0, 1, 1], [], []>, transpose_lhs_hint = false} : vector<400x128xf32>, vector<128x128xf32>, vector<400x128xf32> -> vector<400x128xf32>
    %swap3A_219 = arith.constant 16 : index
    %swap3A_220 = arith.constant 0 : index
    %swap3A_221 = arith.constant 0 : index
    %swap3A_222 = vector.load %arg6[%swap3A_219, %swap3A_220, %swap3A_221] : memref<18x400x128xf32, #tpu.memory_space<vmem>>, vector<1x400x128xf32>
    %swap3A_223 = vector.shape_cast %swap3A_222 : vector<1x400x128xf32> to vector<400x128xf32>
    %swap3A_224 = vector.shape_cast %dot_general3A_218 : vector<400x128xf32> to vector<1x400x128xf32>
    tpu.vector_store %arg6[%swap3A_219, %swap3A_220, %swap3A_221], %swap3A_224 {strides = array<i32>} : memref<18x400x128xf32, #tpu.memory_space<vmem>>, vector<1x400x128xf32>,
    %get3A_225 = arith.constant 17 : index
    %get3A_226 = arith.constant 0 : index
    %get3A_227 = arith.constant 0 : index
    %get3A_228 = vector.load %arg3[%get3A_225, %get3A_226, %get3A_227] : memref<18x128x128xf32, #tpu.memory_space<vmem>>, vector<1x128x128xf32>
    %get3A_229 = vector.shape_cast %get3A_228 : vector<1x128x128xf32> to vector<128x128xf32>
    %dot_general3A_230 = arith.constant dense<0.000000e+00> : vector<400x128xf32>
    %dot_general3A_231 = tpu.matmul %mul3A_5, %get3A_229, %dot_general3A_230 {dimension_numbers = #tpu.dot_dimension_numbers<[1], [0], [0], [1], [0, 0, 1, 1], [], []>, transpose_lhs_hint = false} : vector<400x128xf32>, vector<128x128xf32>, vector<400x128xf32> -> vector<400x128xf32>
    %swap3A_232 = arith.constant 17 : index
    %swap3A_233 = arith.constant 0 : index
    %swap3A_234 = arith.constant 0 : index
    %swap3A_235 = vector.load %arg6[%swap3A_232, %swap3A_233, %swap3A_234] : memref<18x400x128xf32, #tpu.memory_space<vmem>>, vector<1x400x128xf32>
    %swap3A_236 = vector.shape_cast %swap3A_235 : vector<1x400x128xf32> to vector<400x128xf32>
    %swap3A_237 = vector.shape_cast %dot_general3A_231 : vector<400x128xf32> to vector<1x400x128xf32>
    tpu.vector_store %arg6[%swap3A_232, %swap3A_233, %swap3A_234], %swap3A_237 {strides = array<i32>} : memref<18x400x128xf32, #tpu.memory_space<vmem>>, vector<1x400x128xf32>,
    %get3A_238 = arith.constant 0 : index
    %get3A_239 = arith.constant 0 : index
    %get3A_240 = vector.load %arg5[%get3A_238, %get3A_239] : memref<2500x128xi32, #tpu.memory_space<vmem>>, vector<2500x128xi32>
    %mul3A_241 = arith.constant 10000 : i32
    %mul3A_242 = vector.broadcast %mul3A_241 : i32 to vector<2500x128xi32>
    %mul3A_243 = arith.muli %get3A_240, %mul3A_242 : vector<2500x128xi32>
    %get3A_244 = arith.constant 0 : index
    %get3A_245 = arith.constant 0 : index
    %get3A_246 = vector.load %arg4[%get3A_244, %get3A_245] : memref<2500x128xi32, #tpu.memory_space<vmem>>, vector<2500x128xi32>
    %add3A = arith.addi %mul3A_243, %get3A_246 : vector<2500x128xi32>
    %swap3A_247 = arith.constant 0 : index
    %swap3A_248 = arith.constant 0 : index
    %swap3A_249 = arith.constant 0 : index
    %swap3A_250 = vector.load %arg7[%swap3A_247, %swap3A_248, %swap3A_249] : memref<2x2500x128xi32, #tpu.memory_space<vmem>>, vector<1x2500x128xi32>
    %swap3A_251 = vector.shape_cast %swap3A_250 : vector<1x2500x128xi32> to vector<2500x128xi32>
    %swap3A_252 = vector.shape_cast %add3A : vector<2500x128xi32> to vector<1x2500x128xi32>
    tpu.vector_store %arg7[%swap3A_247, %swap3A_248, %swap3A_249], %swap3A_252 {strides = array<i32>} : memref<2x2500x128xi32, #tpu.memory_space<vmem>>, vector<1x2500x128xi32>,
    %add3A_253 = arith.constant 90000 : i32
    %add3A_254 = vector.broadcast %add3A_253 : i32 to vector<2500x128xi32>
    %add3A_255 = arith.addi %add3A, %add3A_254 : vector<2500x128xi32>
    %swap3A_256 = arith.constant 1 : index
    %swap3A_257 = arith.constant 0 : index
    %swap3A_258 = arith.constant 0 : index
    %swap3A_259 = vector.load %arg7[%swap3A_256, %swap3A_257, %swap3A_258] : memref<2x2500x128xi32, #tpu.memory_space<vmem>>, vector<1x2500x128xi32>
    %swap3A_260 = vector.shape_cast %swap3A_259 : vector<1x2500x128xi32> to vector<2500x128xi32>
    %swap3A_261 = vector.shape_cast %add3A_255 : vector<2500x128xi32> to vector<1x2500x128xi32>
    tpu.vector_store %arg7[%swap3A_256, %swap3A_257, %swap3A_258], %swap3A_261 {strides = array<i32>} : memref<2x2500x128xi32, #tpu.memory_space<vmem>>, vector<1x2500x128xi32>,
    return
  }
  func.func @transform_0(%arg0: i32) -> (i32, i32) {
    %c0_i32 = arith.constant 0 : i32
    %c0_i32_0 = arith.constant 0 : i32
    return %arg0, %c0_i32 : i32, i32
  }
  func.func @transform_1(%arg0: i32) -> (i32, i32) {
    %c0_i32 = arith.constant 0 : i32
    %c0_i32_0 = arith.constant 0 : i32
    return %arg0, %c0_i32 : i32, i32
  }
  func.func @transform_2(%arg0: i32) -> (i32, i32, i32) {
    %c0_i32 = arith.constant 0 : i32
    %c0_i32_0 = arith.constant 0 : i32
    %c0_i32_1 = arith.constant 0 : i32
    %c0_i32_2 = arith.constant 0 : i32
    return %c0_i32, %c0_i32_0, %c0_i32_1 : i32, i32, i32
  }
  func.func @transform_3(%arg0: i32) -> (i32, i32) {
    %c0_i32 = arith.constant 0 : i32
    %c0_i32_0 = arith.constant 0 : i32
    %c0_i32_1 = arith.constant 0 : i32
    return %c0_i32, %c0_i32_0 : i32, i32
  }
  func.func @transform_4(%arg0: i32) -> (i32, i32) {
    %c0_i32 = arith.constant 0 : i32
    %c0_i32_0 = arith.constant 0 : i32
    %c0_i32_1 = arith.constant 0 : i32
    return %c0_i32, %c0_i32_0 : i32, i32
  }
  func.func @transform_5(%arg0: i32) -> (i32, i32, i32) {
    %c0_i32 = arith.constant 0 : i32
    %c0_i32_0 = arith.constant 0 : i32
    %c0_i32_1 = arith.constant 0 : i32
    return %c0_i32, %arg0, %c0_i32_0 : i32, i32, i32
  }
  func.func @transform_6(%arg0: i32) -> (i32, i32, i32) {
    %c0_i32 = arith.constant 0 : i32
    %c0_i32_0 = arith.constant 0 : i32
    %c0_i32_1 = arith.constant 0 : i32
    %c0_i32_2 = arith.constant 0 : i32
    return %c0_i32, %c0_i32_0, %c0_i32_1 : i32, i32, i32
  }
}

module attributes {stable_mosaic.version = 14 : i64} {
  func.func @_final_body(%arg0: i32, %arg1: memref<2x400x128xf32, #tpu.memory_space<vmem>>, %arg2: memref<400x1xf32, #tpu.memory_space<vmem>>, %arg3: memref<400x128xf32, #tpu.memory_space<vmem>>) attributes {dimension_semantics = [#tpu.dimension_semantics<arbitrary>], iteration_bounds = array<i64: 25>, scalar_prefetch = 0 : i64, scratch_operands = 0 : i64, tpu.core_type = #tpu.core_type<tc>, window_params = [{transform_indices = @transform_0, window_bounds = array<i64: 2, 400, 128>}, {transform_indices = @transform_1, window_bounds = array<i64: 400, 1>}, {transform_indices = @transform_2, window_bounds = array<i64: 400, 128>}]} {
    %get3A = arith.constant 0 : index
    %get3A_0 = arith.constant 0 : index
    %get3A_1 = arith.constant 0 : index
    %get3A_2 = vector.load %arg1[%get3A, %get3A_0, %get3A_1] : memref<2x400x128xf32, #tpu.memory_space<vmem>>, vector<2x400x128xf32>
    %get3A_3 = arith.constant 0 : index
    %get3A_4 = arith.constant 0 : index
    %get3A_5 = vector.load %arg2[%get3A_3, %get3A_4] : memref<400x1xf32, #tpu.memory_space<vmem>>, vector<400x1xf32>
    %mul3A = arith.constant 0.111111112 : f32
    %mul3A_6 = vector.broadcast %mul3A : f32 to vector<400x1xf32>
    %mul3A_7 = arith.mulf %get3A_5, %mul3A_6 : vector<400x1xf32>
    %slice3A = vector.extract_strided_slice %get3A_2 {offsets = [0, 0, 0], sizes = [1, 400, 128], strides = [1, 1, 1]} : vector<2x400x128xf32> to vector<1x400x128xf32>
    %squeeze3A = vector.shape_cast %slice3A : vector<1x400x128xf32> to vector<400x128xf32>
    %mul3A_8 = vector.broadcast %mul3A_7 : vector<400x1xf32> to vector<400x128xf32>
    %mul3A_9 = arith.mulf %squeeze3A, %mul3A_8 : vector<400x128xf32>
    %max3A = arith.constant 0.000000e+00 : f32
    %max3A_10 = vector.broadcast %max3A : f32 to vector<400x128xf32>
    %max3A_11 = arith.maximumf %mul3A_9, %max3A_10 : vector<400x128xf32>
    %slice3A_12 = vector.extract_strided_slice %get3A_2 {offsets = [1, 0, 0], sizes = [1, 400, 128], strides = [1, 1, 1]} : vector<2x400x128xf32> to vector<1x400x128xf32>
    %squeeze3A_13 = vector.shape_cast %slice3A_12 : vector<1x400x128xf32> to vector<400x128xf32>
    %mul3A_14 = vector.broadcast %mul3A_7 : vector<400x1xf32> to vector<400x128xf32>
    %mul3A_15 = arith.mulf %squeeze3A_13, %mul3A_14 : vector<400x128xf32>
    %max3A_16 = arith.constant 0.000000e+00 : f32
    %max3A_17 = vector.broadcast %max3A_16 : f32 to vector<400x128xf32>
    %max3A_18 = arith.maximumf %mul3A_15, %max3A_17 : vector<400x128xf32>
    %add3A = arith.addf %max3A_11, %max3A_18 : vector<400x128xf32>
    %mul3A_19 = arith.constant 5.000000e-01 : f32
    %mul3A_20 = vector.broadcast %mul3A_19 : f32 to vector<400x128xf32>
    %mul3A_21 = arith.mulf %mul3A_20, %add3A : vector<400x128xf32>
    %swap3A = arith.constant 0 : index
    %swap3A_22 = arith.constant 0 : index
    %swap3A_23 = vector.load %arg3[%swap3A, %swap3A_22] : memref<400x128xf32, #tpu.memory_space<vmem>>, vector<400x128xf32>
    tpu.vector_store %arg3[%swap3A, %swap3A_22], %mul3A_21 {strides = array<i32>} : memref<400x128xf32, #tpu.memory_space<vmem>>, vector<400x128xf32>,
    return
  }
  func.func @transform_0(%arg0: i32) -> (i32, i32, i32) {
    %c0_i32 = arith.constant 0 : i32
    %c0_i32_0 = arith.constant 0 : i32
    %c0_i32_1 = arith.constant 0 : i32
    return %c0_i32, %arg0, %c0_i32_0 : i32, i32, i32
  }
  func.func @transform_1(%arg0: i32) -> (i32, i32) {
    %c0_i32 = arith.constant 0 : i32
    %c0_i32_0 = arith.constant 0 : i32
    return %arg0, %c0_i32 : i32, i32
  }
  func.func @transform_2(%arg0: i32) -> (i32, i32) {
    %c0_i32 = arith.constant 0 : i32
    %c0_i32_0 = arith.constant 0 : i32
    return %arg0, %c0_i32 : i32, i32
  }
}

</mosaic_0001>

<sc_bundles>
// kernel: kernel.5.cloned.1.call-start
scs
__scs_entry_jumppad:
0x0: {  	(pc) =	sbr.rel $0x88, $3  }
0x1: {  	(tag) =	ssettag $0x0;
	lr =	simm.s32 $0x1  }
0x2: {  	[smem:$0x3F9C] =	sst lr;
	_ =	strace $0xD0000000  }
0x3: {  	_ = 	snop  }
0x4: {  	_ = 	snop  }
0x5: {  	_ = 	snop  }
0x6: {  	_ = 	snop  }
0x7: {  	_ = 	snop  }
__scs_overlays_trampoline_lowered:
0x8: {  	[smem:$0x3FAB] =	sst s0  }
0x9: {  	[smem:$0x3FAC] =	sst s1  }
0xa: {  	[smem:$0x3FAD] =	sst s2  }
0xb: {  	[smem:$0x3FAE] =	sst s3  }
0xc: {  	[smem:$0x3FAF] =	sst s4  }
0xd: {  	[smem:$0x3FB0] =	sst s5  }
0xe: {  	[smem:$0x3FB1] =	sst s6  }
0xf: {  	[smem:$0x3FB2] =	sst s7  }
0x10: {  	[smem:$0x3FB3] =	sst s8  }
0x11: {  	[smem:$0x3FB4] =	sst s9;
	s0 =	simm.s32 @!p0 $0x0  }
0x12: {  	s1 =	sld [smem:$0x3F9A];
	s0 =	simm.s32 @p0 $0x1  }
0x13: {  	[smem:$0x3FB5] =	sst s0;
	s0 =	simm.s32 @!p1 $0x0  }
0x14: {  	s2 =	sld [smem:$0x3F99];
	s0 =	simm.s32 @p1 $0x1  }
0x15: {  	[smem:$0x3FB6] =	sst s0;
	s0 =	simm.s32 @!p2 $0x0  }
0x16: {  	s3 =	sld [smem:$0x3FDB];
	s0 =	simm.s32 @p2 $0x1  }
0x17: {  	s4 =	simm.s32 $0x1BF5;
	[smem:$0x3FB8] =	sst s0  }
0x18: {  	s0 =	sld [smem:$0x3F9B];
	_ =	swait.ge [sflag:s4], $0x0  }
0x19: {  	s7 =	sld [smem:$0x3F9C]  }
0x1a: {  	s8 =	sadd.s32 $0xFFFFE003, lr  }
0x1b: {  	s9 =	sadd.s32 $0xFFFFFEF7, lr;
	s5 =	simm.s32 $0xFFFFFFFF;
	p2 =	slt.u32 s8, $0xFFFFF086  }
0x1c: {  	p1 =	slt.u32 s9, $0xF7A;
	s5 =	simm.s32 @!p2 $0x0  }
0x1d: {  	s5 =	simm.s32 @p1 $0x1;
	p0 =	seq.s32 s7, s2  }
0x1e: {  	s7 =	smul.u32 @!p0 $0xF7A, s2;
	p2 =	seq.s32 @!p0 s5, $0x0  }
0x1f: {  	s9 =	smul.u32 $0xF7A, s1;
	s8 =	simm.s32 @!p0 $0x1BF5;
	p2 =	por !p2, p0  }
0x20: {  	[sflag:s8] =	ssyncset.s32 @!p0 $0xFFFFF086;
	s6 =	sadd.s32 @!p0 s3, s7;
	s7 =	simm.s32 @!p0 $0x108  }
0x21: {  	s3 =	sadd.s32 s3, s9;
	s6 =	sadd.s32 @!p0 $0x88, s6;
	s7 =	simm.s32 @p2 $0x1082  }
0x22: {  	[simem:s7], [sflag:s8] =	dma.local @!p0 [hbm:s6], $0xF7A  }
0x23: {  	s9 =	sor.u32 $0xD0000000, s2;
	s6 =	simm.s32 $0x108;
	_ =	swait.ge @!p0 [sflag:s8], $0x0  }
0x24: {  	s3 =	sadd.s32 $0x88, s3;
	s6 =	simm.s32 @!p1 $0x1082;
	[sflag:s4] =	ssyncset.s32 $0xFFFFF086  }
0x25: {  	[simem:s6], [sflag:s4] =	dma.local [hbm:s3], $0xF7A  }
0x26: {  	[smem:$0x3F9C] =	sst s1;
	(tag) =	ssettag s2;
	_ =	strace s9  }
0x27: {  	s1 =	sld [smem:$0x3FAC]  }
0x28: {  	s2 =	sld [smem:$0x3FAD]  }
0x29: {  	s4 =	sld [smem:$0x3FAF]  }
0x2a: {  	p0 =	seq.s32 s5, $0x0;
	s5 =	sld [smem:$0x3FB0]  }
0x2b: {  	s6 =	sld [smem:$0x3FB1]  }
0x2c: {  	s7 =	sld [smem:$0x3FB2]  }
0x2d: {  	s3 =	simm.s32 $0x108;
	s8 =	sld [smem:$0x3FB3]  }
0x2e: {  	s3 =	simm.s32 @!p0 $0x1082;
	s9 =	sld [smem:$0x3FB4]  }
0x2f: {  	lr =	sadd.s32 s0, s3;
	s0 =	sld [smem:$0x3FAB]  }
0x30: {  	s3 =	sld [smem:$0x3FAE]  }
0x31: {  	[smem:$0x3FB7] =	sst s10  }
0x32: {  	s10 =	sld [smem:$0x3FB5];
	_ =	sdelay $0x3  }
0x33: {  	p0 =	seq.s32 s10, $0x1;
	s10 =	sld [smem:$0x3FB7];
	_ =	sdelay $0x3  }
0x34: {  	[smem:$0x3FB7] =	sst s10  }
0x35: {  	s10 =	sld [smem:$0x3FB6];
	_ =	sdelay $0x3  }
0x36: {  	p1 =	seq.s32 s10, $0x1;
	s10 =	sld [smem:$0x3FB7];
	_ =	sdelay $0x3  }
0x37: {  	[smem:$0x3FB7] =	sst s10  }
0x38: {  	s10 =	sld [smem:$0x3FB8]  }
0x39: {  	_ = 	snop;
	(pc) =	sbr.ind lr, $3  }
0x3a: {  	_ = 	snop  }
0x3b: {  	_ = 	snop  }
0x3c: {  	p2 =	seq.s32 s10, $0x1;
	s10 =	sld [smem:$0x3FB7]  }
0x3d: {  	_ =	shalt  }
0x3e: {  	_ =	shalt  }
0x3f: {  	_ =	shalt  }
0x40: {  	_ =	shalt  }
0x41: {  	_ =	shalt  }
0x42: {  	_ =	shalt  }
0x43: {  	_ =	shalt  }
0x44: {  	_ =	shalt  }
0x45: {  	_ =	shalt  }
0x46: {  	_ =	shalt  }
0x47: {  	_ =	shalt  }
0x48: {  	_ =	shalt  }
0x49: {  	_ =	shalt  }
0x4a: {  	_ =	shalt  }
0x4b: {  	_ =	shalt  }
0x4c: {  	_ =	shalt  }
0x4d: {  	_ =	shalt  }
0x4e: {  	_ =	shalt  }
0x4f: {  	_ =	shalt  }
0x50: {  	_ =	shalt  }
0x51: {  	_ =	shalt  }
0x52: {  	_ =	shalt  }
0x53: {  	_ =	shalt  }
0x54: {  	_ =	shalt  }
0x55: {  	_ =	shalt  }
0x56: {  	_ =	shalt  }
0x57: {  	_ =	shalt  }
0x58: {  	_ =	shalt  }
0x59: {  	_ =	shalt  }
0x5a: {  	_ =	shalt  }
0x5b: {  	_ =	shalt  }
0x5c: {  	_ =	shalt  }
0x5d: {  	_ =	shalt  }
0x5e: {  	_ =	shalt  }
0x5f: {  	_ =	shalt  }
0x60: {  	_ =	shalt  }
0x61: {  	_ =	shalt  }
0x62: {  	_ =	shalt  }
0x63: {  	_ =	shalt  }
0x64: {  	_ =	shalt  }
0x65: {  	_ =	shalt  }
0x66: {  	_ =	shalt  }
0x67: {  	_ =	shalt  }
0x68: {  	_ =	shalt  }
0x69: {  	_ =	shalt  }
0x6a: {  	_ =	shalt  }
0x6b: {  	_ =	shalt  }
0x6c: {  	_ =	shalt  }
0x6d: {  	_ =	shalt  }
0x6e: {  	_ =	shalt  }
0x6f: {  	_ =	shalt  }
0x70: {  	_ =	shalt  }
0x71: {  	_ =	shalt  }
0x72: {  	_ =	shalt  }
0x73: {  	_ =	shalt  }
0x74: {  	_ =	shalt  }
0x75: {  	_ =	shalt  }
0x76: {  	_ =	shalt  }
0x77: {  	_ =	shalt  }
0x78: {  	_ =	shalt  }
0x79: {  	_ =	shalt  }
0x7a: {  	_ =	shalt  }
0x7b: {  	_ =	shalt  }
0x7c: {  	_ =	shalt  }
0x7d: {  	_ =	shalt  }
0x7e: {  	_ =	shalt  }
0x7f: {  	_ =	shalt  }
0x80: {  	_ =	shalt  }
0x81: {  	_ =	shalt  }
0x82: {  	_ =	shalt  }
0x83: {  	_ =	shalt  }
0x84: {  	_ =	shalt  }
0x85: {  	_ =	shalt  }
0x86: {  	_ =	shalt  }
0x87: {  	_ =	shalt  }
.Lfunc_end0:
.L_simem_size_0:
called_computation_lowered:
.L_overlay_start_0:
0x88: {  	s2 =	sld [smem:$0x3FD9]  }
0x89: {  	s3 =	sld [smem:$0x3FFE];
	_ =	sdelay $0x1  }
0x8a: {  	s1 =	srdreg.scid  }
0x8b: {  	s0 =	sand.u32 $0x1, s1  }
0x8c: {  	s17 =	sshll.u32 s0, $0xA;
	s2 =	sadd.s32 s3, s2  }
0x8d: {  	s2 =	sadd.s32 s2, s17  }
0x8e: {  	[smem:$0x3FC3] =	sst s2  }
0x8f: {  	_ = 	snop  }
0x90: {  	s2 =	sld [smem:$0x3FD0];
	(tm) =	ssettm $0x1  }
0x91: {  	s18 =	sld [smem:$0x3FFB];
	_ =	sdelay $0x3  }
0x92: {  	_ =	strace s18  }
0x93: {  	s3 =	sld [smem:$0x3FFC];
	_ =	sdelay $0x3  }
0x94: {  	_ =	strace s3  }
0x95: {  	s3 =	sld [smem:$0x3FFD];
	_ =	sdelay $0x3  }
0x96: {  	_ =	strace s3  }
0x97: {  	_ =	strace $0x8FFFFFFF  }
0x98: {  	s19 =	sld [smem:$0x3FDB];
	_ =	sdelay $0x1  }
0x99: {  	s4 =	simm.s32 $_scs_section_size  }
0x9a: {  	s5 =	simm.s32 $_size__tile_overlayer_lowered;
	s6 =	simm.s32 $_tile_overlayer_lowered  }
0x9b: {  	s22 =	simm.s32 $0x1BFF;
	s21 =	sshll.u32 s6, $0x1;
	s3 =	sadd.s32 s4, s19  }
0x9c: {  	s7 =	simm.s32 $0x0;
	s20 =	sshll.u32 s5, $0x1;
	s5 =	sadd.s32 s21, s3  }
0x9d: {  	[timem:s7], [sflag:s22] =	dma.local [hbm:s5], s20  }
0x9e: {  	_ =	swait.ge [sflag:s22], s20  }
0x9f: {  	s4 =	ssub.s32 $0x0, s20;
	[sflag:s22] =	ssyncset.done $0x0  }
0xa0: {  	[sflag:s22] =	ssyncadd.s32 s4;
	_ =	sdelay $0x1  }
0xa1: {  	s23 =	simm.s32 $0x1B8B  }
0xa2: {  	_ =	swait.ge [sflag:s23], $0x1  }
0xa3: {  	[sflag:s23] =	ssyncset.done $0x0  }
0xa4: {  	s25 =	simm.s32 $0x1B8E;
	s24 =	sld [smem:$0x3FFE];
	[sflag:s23] =	ssyncadd.s32 $0xFFFFFFFF  }
0xa5: {  	s26 =	simm.s32 $execute0_lowered;
	[smem:$0x3FD2] =	sst s25  }
0xa6: {  	s5 =	sshll.u32 s26, $0x1;
	_ =	strace $0x80000046;
	[dreg:$0x1] =	wrdreg $0xFFFFFFFF  }
0xa7: {  	s28 =	simm.s32 $_size_execute0_lowered;
	s3 =	sadd.s32 s3, s5;
	[dreg:$0x0] =	wrdreg $0x0  }
0xa8: {  	s5 =	sshll.u32 s28, $0x1;
	[dreg:$0x2] =	wrdreg s3  }
0xa9: {  	[dreg:$0x3] =	wrdreg s5  }
0xaa: {  	[dreg:$0x4] =	wrdreg $0xC0  }
0xab: {  	_ =	task [dreg:s7], $0x5FFFF  }
0xac: {  	[dreg:$0x1] =	wrdreg $0xFFFFFFFF  }
0xad: {  	[dreg:$0x0] =	wrdreg $0x60  }
0xae: {  	[dreg:$0x2] =	wrdreg s24  }
0xaf: {  	[dreg:$0x3] =	wrdreg s2  }
0xb0: {  	[dreg:$0x4] =	wrdreg $0xB8000  }
0xb1: {  	[dreg:$0x5] =	wrdreg $0x9  }
0xb2: {  	_ =	task.clear_ibuf [dreg:s7], $0x6FFFF;
	_ =	strace $0x90000046  }
0xb3: {  	s29 =	simm.s32 $0x9;
	_ =	strace $0x80000048  }
0xb4: {  	_ =	swait.ge [sflag:s29], $0x1  }
0xb5: {  	[sflag:s29] =	ssyncadd.s32 $0xFFFFFFFF  }
0xb6: {  	_ =	strace $0x90000048  }
0xb7: {  	_ =	sfence  }
0xb8: {  	s30 =	sld [smem:$0x0];
	_ =	sdelay $0x2  }
0xb9: {  	s31 =	sshll.u32 s1, $0xD;
	s1 =	sshrl.u32 s1, $0x2  }
0xba: {  	s3 =	sand.u32 $0x4000, s31;
	s1 =	sadd.s32 s1, s30  }
0xbb: {  	s0 =	sor.u32 s3, s0;
	s1 =	sshll.u32 s1, $0x11  }
0xbc: {  	s0 =	sor.u32 s1, s0  }
0xbd: {  	s0 =	sadd.s32 $0x8F2B, s0  }
0xbe: {  	[sflag:s0] =	ssyncadd.remote.s32 $0x1  }
0xbf: {  	_ =	sfence.sel $0xFFFF  }
0xc0: {  	[dreg:$0x0] =	wrdreg $0xFFFFFFFF;
	(pc) =	sbr.abs _section_cstart, $3  }
0xc1: {  	[dreg:$0x1] =	wrdreg $0xFFFFFFFF  }
0xc2: {  	_ =	task.clear_ibuf [dreg:s7], $0x2FFFF;
	_ =	strace $0x9FFFFFFF  }
0xc3: {  	(tm) =	ssettm $0x7FFFFFFF  }
tec
execute0_lowered:
.L_overlay_start_1:
0x0: {  	(tag) =	ssettag $0x1  }
0x1: {  	s0 =	rddreg [dreg:$0x0]  }
0x2: {  	s1 =	rddreg [dreg:$0x1];
	s3 =	srdreg.scid  }
0x3: {  	s2 =	rddreg [dreg:$0x2];
	s13 =	stileid.u32;
	s8 =	simm.s32 $0x0  }
0x4: {  	s28 =	simm.s32 $0x3;
	s29 =	simm.s32 $0x1400;
	s5 =	smul.u32 $0x2800, s13  }
0x5: {  	s30 =	simm.s32 $0x3C00;
	s31 =	simm.s32 $0x64;
	s9 =	smul.u32 $0xC80, s13  }
0x6: {  	s3 =	sand.u32 $0x1, s3;
	[smem:$0x7FF] =	sst s8;
	s11 =	smul.u32 $0x50000, s13  }
0x7: {  	s10 =	sadd.s32 $0xE00, s0;
	s15 =	smul.u32 $0x6400, s13;
	s8 =	simm.s32 $0x3B80  }
0x8: {  	s4 =	sshll.u32 s3, $0x4;
	s6 =	smul.u32 $0x28000, s3;
	_ =	strace $0x80000047  }
0x9: {  	s3 =	ssub.s32 $0x2, s3;
	s7 =	sor.u32 s13, s4;
	s4 =	sadd.s32 $0xD600, s0  }
0xa: {  	s14 =	sshrl.u32 s3, $0x1;
	s17 =	sadd.s32 s10, s9;
	s18 =	sshrl.u32 s11, $0x2  }
0xb: {  	s9 =	simm.s32 $0x4;
	s11 =	simm.s32 $0x4F00;
	s26 =	smul.u32 $0xC80, s7  }
0xc: {  	s13 =	simm.s32 $0x0;
	s5 =	sadd.s32 s5, s6;
	s12 =	smul.u32 $0x6400, s7  }
0xd: {  	s3 =	ssub.s32 s3, s14;
	[dreg:$0x5] =	wrdreg s17;
	s7 =	sadd.s32 s18, s2  }
0xe: {  	s0 =	sadd.s32 s5, s0;
	s5 =	sshrl.u32 s15, $0x3;
	s20 =	sadd.s32 $0x12000, s7  }
0xf: {  	s18 =	smax.u32 s3, $0x1;
	s3 =	simm.s32 $0x2;
	s16 =	sadd.s32 s1, s26  }
0x10: {  	s19 =	sshrl.u32 s12, $0x3;
	[dreg:$0x6] =	wrdreg s20;
	s5 =	sadd.s32 s10, s5  }
0x11: {  	s17 =	sadd.s32 $0x2CC800, s0;
	s20 =	sadd.s32 $0x6000, s7;
	s0 =	simm.s32 $0x1  }
0x12: {  	s10 =	simm.s32 $0x2780;
	[dreg:$0x4] =	wrdreg s16;
	s21 =	sadd.s32 $0x280, s5  }
0x13: {  	s12 =	simm.s32 $0x4F80;
	s23 =	sadd.s32 $0x500, s5;
	[dreg:$0x8] =	wrdreg s21  }
0x14: {  	s1 =	sadd.s32 s1, s19;
	s25 =	sadd.s32 $0x780, s5;
	[dreg:$0xa] =	wrdreg s23  }
0x15: {  	s26 =	sadd.s32 $0xA00, s5;
	s19 =	sadd.s32 $0x3000, s7;
	[dreg:$0xc] =	wrdreg s25  }
0x16: {  	s5 =	simm.s32 $0x1380;
	s6 =	sadd.s32 $0x280, s1;
	[dreg:$0xe] =	wrdreg s26  }
0x17: {  	s22 =	sadd.s32 $0x500, s1;
	s24 =	sadd.s32 $0x780, s1;
	[dreg:$0x7] =	wrdreg s6  }
0x18: {  	s1 =	sadd.s32 $0xA00, s1;
	s21 =	sadd.s32 $0x9000, s7;
	[dreg:$0x9] =	wrdreg s22  }
0x19: {  	s23 =	sadd.s32 $0xF000, s7;
	s25 =	simm.s32 $0x5000;
	[dreg:$0xb] =	wrdreg s24  }
0x1a: {  	s26 =	simm.s32 $0x5;
	[dreg:$0xd] =	wrdreg s1;
	s22 =	sadd.s32 $0xC000, s7  }
0x1b: {  	v0 =	vimm.f32 $0.0e+00;
	s24 =	simm.s32 $0x2800;
	s1 =	simm.s32 $0x8400;
	s6 =	simm.s32 $0x3B00  }
.LBB2_1:
0x1c: {  	s14 =	simm.s32 $0x0;
	s15 =	rddreg [dreg:$0x4]  }
0x1d: {  	[tilespmem:s14], [sflag:$0x3] =	stream.linear.gather [hbm4b:s15+s14], $0x1400, $0x38;
	[tilespmem:$0x1F800] =	vst v63  }
0x1e: {  	s16 =	rddreg [dreg:$0x5]  }
0x1f: {  	[tilespmem:s24], [sflag:$0x3] =	stream.linear.gather [hbm4b:s16+s14], $0x1400, $0x38;
	[tilespmem:$0x1F800] =	vst v63  }
0x20: {  	s15 =	simm.s32 $0x200;
	s14 =	simm.s32 $0x0  }
.LBB2_2:
0x21: {  	p0 =	sne.s32 s15, $0xC600;
	[tilespmem:s14+$0x5070] =	vst v0  }
0x22: {  	[tilespmem:s14+$0x5000] =	vst v0  }
0x23: {  	[tilespmem:s14+$0x5010] =	vst v0  }
.Ltmp0:
0x24: {  	[tilespmem:s14+$0x5020] =	vst v0;
	(pc) =	sbr.rel @p0 .LBB2_2-.Ltmp0, $4  }
0x25: {  	[tilespmem:s14+$0x5030] =	vst v0  }
0x26: {  	[tilespmem:s14+$0x5040] =	vst v0  }
0x27: {  	[tilespmem:s14+$0x5050] =	vst v0  }
0x28: {  	[tilespmem:s14+$0x5060] =	vst v0;
	s14 =	sshra.s32 s15, $0x2;
	s15 =	sadd.s32 $0x200, s15  }
0x29: {  	[tilespmem:s14+$0x5070] =	vst v0  }
0x2a: {  	[tilespmem:s14+$0x5000] =	vst v0  }
0x2b: {  	[tilespmem:s14+$0x5010] =	vst v0  }
0x2c: {  	[tilespmem:s14+$0x5020] =	vst v0  }
0x2d: {  	[tilespmem:s14+$0x5030] =	vst v0  }
0x2e: {  	[tilespmem:s14+$0x5040] =	vst v0  }
0x2f: {  	[tilespmem:s14+$0x5050] =	vst v0  }
0x30: {  	[tilespmem:s14+$0x5060] =	vst v0  }
0x31: {  	[spmem:s7] =	stream.linear.scatter [tilespmem:s25], [sflag:$0x5], $0x3000, $0x38;
	[tilespmem:$0x1F800] =	vst v63  }
0x32: {  	_ =	swait.ge [sflag:s26], $0x3000  }
0x33: {  	[sflag:s26] =	ssyncset.done $0x0  }
0x34: {  	[sflag:s26] =	ssyncadd.s32 $0xFFFFD000  }
0x35: {  	[spmem:s19] =	stream.linear.scatter [tilespmem:s25], [sflag:$0x5], $0x3000, $0x38;
	[tilespmem:$0x1F800] =	vst v63  }
0x36: {  	_ =	swait.ge [sflag:s26], $0x3000  }
0x37: {  	[sflag:s26] =	ssyncset.done $0x0  }
0x38: {  	[sflag:s26] =	ssyncadd.s32 $0xFFFFD000  }
0x39: {  	[spmem:s20] =	stream.linear.scatter [tilespmem:s25], [sflag:$0x5], $0x3000, $0x38;
	[tilespmem:$0x1F800] =	vst v63  }
0x3a: {  	_ =	swait.ge [sflag:s26], $0x3000  }
0x3b: {  	[sflag:s26] =	ssyncset.done $0x0  }
0x3c: {  	[sflag:s26] =	ssyncadd.s32 $0xFFFFD000  }
0x3d: {  	[spmem:s21] =	stream.linear.scatter [tilespmem:s25], [sflag:$0x5], $0x3000, $0x38;
	[tilespmem:$0x1F800] =	vst v63  }
0x3e: {  	_ =	swait.ge [sflag:s26], $0x3000  }
0x3f: {  	[sflag:s26] =	ssyncset.done $0x0  }
0x40: {  	[sflag:s26] =	ssyncadd.s32 $0xFFFFD000  }
0x41: {  	[spmem:s22] =	stream.linear.scatter [tilespmem:s25], [sflag:$0x5], $0x3000, $0x38;
	[tilespmem:$0x1F800] =	vst v63  }
0x42: {  	_ =	swait.ge [sflag:s26], $0x3000  }
0x43: {  	[sflag:s26] =	ssyncset.done $0x0  }
0x44: {  	[sflag:s26] =	ssyncadd.s32 $0xFFFFD000  }
0x45: {  	[spmem:s23] =	stream.linear.scatter [tilespmem:s25], [sflag:$0x5], $0x3000, $0x38;
	[tilespmem:$0x1F800] =	vst v63  }
0x46: {  	_ =	swait.ge [sflag:s26], $0x3000  }
0x47: {  	[sflag:s26] =	ssyncset.done $0x0  }
0x48: {  	s15 =	rddreg [dreg:$0x6];
	[sflag:s26] =	ssyncadd.s32 $0xFFFFD000  }
0x49: {  	[spmem:s15] =	stream.linear.scatter [tilespmem:s25], [sflag:$0x5], $0x2000, $0x38;
	[tilespmem:$0x1F800] =	vst v63  }
0x4a: {  	_ =	swait.ge [sflag:s26], $0x2000  }
0x4b: {  	[sflag:s26] =	ssyncset.done $0x0  }
0x4c: {  	[sflag:s26] =	ssyncadd.s32 $0xFFFFE000  }
0x4d: {  	[bflag:$0x0] =	sbarrier.arrive $0xFFFF  }
0x4e: {  	_ =	swait.ge [sflag:s28], $0x1400  }
0x4f: {  	[sflag:s28] =	ssyncset.done $0x0  }
0x50: {  	[sflag:s28] =	ssyncadd.s32 $0xFFFFEC00  }
0x51: {  	_ =	swait.ge [sflag:s28], $0x1400  }
0x52: {  	[sflag:s28] =	ssyncset.done $0x0  }
0x53: {  	s14 =	simm.s32 $0x0;
	s15 =	rddreg [dreg:$0x7];
	[sflag:s28] =	ssyncadd.s32 $0xFFFFEC00  }
0x54: {  	[tilespmem:s29], [sflag:$0x4] =	stream.linear.gather [hbm4b:s15+s14], $0x1400, $0x38;
	[tilespmem:$0x1F800] =	vst v63  }
0x55: {  	s16 =	rddreg [dreg:$0x8]  }
0x56: {  	[tilespmem:s30], [sflag:$0x4] =	stream.linear.gather [hbm4b:s16+s14], $0x1400, $0x38;
	[tilespmem:$0x1F800] =	vst v63  }
0x57: {  	_ = 	snop  }
0x58: {  	[tilespmem:s25], [sflag:$0x1] =	stream.indirect.gather [hbm4b:s4+s31], $0x80, s14, s31, $0xb8;
	[tilespmem:$0x1F800] =	vst v63  }
0x59: {  	_ =	swait.ge [sflag:s0], $0x3200  }
0x5a: {  	[sflag:s0] =	ssyncset.done $0x0  }
0x5b: {  	s15 =	simm.s32 $0x80;
	[sflag:s0] =	ssyncadd.s32 $0xFFFFCE00  }
0x5c: {  	[tilespmem:s1], [sflag:$0x2] =	stream.indirect.gather [hbm4b:s4+s31], $0x80, s15, s31, $0xb8;
	[tilespmem:$0x1F800] =	vst v63  }
0x5d: {  	s16 =	simm.s32 $0x2800  }
0x5e: {  	[spmem:s2] =	stream.indirect.scatter.add.f32 [tilespmem:s25], [sflag:$0x5], $0x80, s16, s31, $0xb8;
	[tilespmem:$0x1F800] =	vst v63  }
0x5f: {  	_ =	swait.ge [sflag:s26], $0x3200  }
0x60: {  	[sflag:s26] =	ssyncset.done $0x0  }
0x61: {  	[sflag:s26] =	ssyncadd.s32 $0xFFFFCE00  }
0x62: {  	_ =	swait.ge [sflag:s3], $0x3200  }
0x63: {  	[sflag:s3] =	ssyncset.done $0x0  }
0x64: {  	s15 =	simm.s32 $0x100;
	[sflag:s3] =	ssyncadd.s32 $0xFFFFCE00  }
0x65: {  	[tilespmem:s25], [sflag:$0x1] =	stream.indirect.gather [hbm4b:s4+s31], $0x80, s15, s31, $0xb8;
	[tilespmem:$0x1F800] =	vst v63  }
0x66: {  	s16 =	simm.s32 $0x2880  }
0x67: {  	[spmem:s2] =	stream.indirect.scatter.add.f32 [tilespmem:s1], [sflag:$0x5], $0x80, s16, s31, $0xb8;
	[tilespmem:$0x1F800] =	vst v63  }
0x68: {  	_ =	swait.ge [sflag:s26], $0x3200  }
0x69: {  	s14 =	simm.s32 $0x400;
	[sflag:s26] =	ssyncset.done $0x0  }
.LBB2_4:
0x6a: {  	p0 =	sne.s32 s14, $0x4800  }
0x6b: {  	[sflag:s26] =	ssyncadd.s32 $0xFFFFCE00;
	s15 =	smov.u32 s14;
	s14 =	sadd.s32 $0x400, s14  }
0x6c: {  	_ = 	snop  }
0x6d: {  	_ =	swait.ge [sflag:s0], $0x3200  }
0x6e: {  	s15 =	sshra.s32 s15, $0x2;
	[sflag:s0] =	ssyncset.done $0x0  }
0x6f: {  	s16 =	sadd.s32 $0x80, s15;
	[sflag:s0] =	ssyncadd.s32 $0xFFFFCE00  }
0x70: {  	[tilespmem:s1], [sflag:$0x2] =	stream.indirect.gather [hbm4b:s4+s31], $0x80, s16, s31, $0xb8;
	[tilespmem:$0x1F800] =	vst v63  }
0x71: {  	s16 =	sadd.s32 $0x2800, s15  }
0x72: {  	[spmem:s2] =	stream.indirect.scatter.add.f32 [tilespmem:s25], [sflag:$0x5], $0x80, s16, s31, $0xb8;
	[tilespmem:$0x1F800] =	vst v63  }
0x73: {  	_ =	swait.ge [sflag:s26], $0x3200  }
0x74: {  	[sflag:s26] =	ssyncset.done $0x0  }
0x75: {  	[sflag:s26] =	ssyncadd.s32 $0xFFFFCE00  }
0x76: {  	_ =	swait.ge [sflag:s3], $0x3200  }
0x77: {  	[sflag:s3] =	ssyncset.done $0x0  }
0x78: {  	s16 =	sadd.s32 $0x100, s15;
	[sflag:s3] =	ssyncadd.s32 $0xFFFFCE00  }
0x79: {  	[tilespmem:s25], [sflag:$0x1] =	stream.indirect.gather [hbm4b:s4+s31], $0x80, s16, s31, $0xb8;
	[tilespmem:$0x1F800] =	vst v63  }
.Ltmp1:
0x7a: {  	_ = 	snop;
	(pc) =	sbr.rel @p0 .LBB2_4-.Ltmp1, $4  }
0x7b: {  	s15 =	sadd.s32 $0x2880, s15  }
0x7c: {  	[spmem:s2] =	stream.indirect.scatter.add.f32 [tilespmem:s1], [sflag:$0x5], $0x80, s15, s31, $0xb8;
	[tilespmem:$0x1F800] =	vst v63  }
0x7d: {  	_ =	swait.ge [sflag:s26], $0x3200  }
0x7e: {  	[sflag:s26] =	ssyncset.done $0x0  }
0x7f: {  	[sflag:s26] =	ssyncadd.s32 $0xFFFFCE00  }
0x80: {  	_ =	swait.ge [sflag:s0], $0x3200  }
0x81: {  	[sflag:s0] =	ssyncset.done $0x0  }
0x82: {  	[sflag:s0] =	ssyncadd.s32 $0xFFFFCE00  }
0x83: {  	[tilespmem:s1], [sflag:$0x2] =	stream.indirect.gather [hbm4b:s4+s31], $0x80, s5, s31, $0xb8;
	[tilespmem:$0x1F800] =	vst v63  }
0x84: {  	_ = 	snop  }
0x85: {  	[spmem:s2] =	stream.indirect.scatter.add.f32 [tilespmem:s25], [sflag:$0x5], $0x80, s6, s31, $0xb8;
	[tilespmem:$0x1F800] =	vst v63  }
0x86: {  	_ =	swait.ge [sflag:s26], $0x3200  }
0x87: {  	[sflag:s26] =	ssyncset.done $0x0  }
0x88: {  	[sflag:s26] =	ssyncadd.s32 $0xFFFFCE00  }
0x89: {  	_ =	swait.ge [sflag:s3], $0x3200  }
0x8a: {  	[sflag:s3] =	ssyncset.done $0x0  }
0x8b: {  	[sflag:s3] =	ssyncadd.s32 $0xFFFFCE00  }
0x8c: {  	[spmem:s2] =	stream.indirect.scatter.add.f32 [tilespmem:s1], [sflag:$0x5], $0x80, s8, s31, $0xb8;
	[tilespmem:$0x1F800] =	vst v63  }
0x8d: {  	_ =	swait.ge [sflag:s26], $0x3200  }
0x8e: {  	[sflag:s26] =	ssyncset.done $0x0  }
0x8f: {  	[sflag:s26] =	ssyncadd.s32 $0xFFFFCE00  }
0x90: {  	_ =	swait.ge [sflag:s9], $0x1400  }
0x91: {  	[sflag:s9] =	ssyncset.done $0x0  }
0x92: {  	[sflag:s9] =	ssyncadd.s32 $0xFFFFEC00  }
0x93: {  	_ =	swait.ge [sflag:s9], $0x1400  }
0x94: {  	[sflag:s9] =	ssyncset.done $0x0  }
0x95: {  	s14 =	simm.s32 $0x0;
	s15 =	rddreg [dreg:$0x9];
	[sflag:s9] =	ssyncadd.s32 $0xFFFFEC00  }
0x96: {  	[tilespmem:s14], [sflag:$0x3] =	stream.linear.gather [hbm4b:s15+s14], $0x1400, $0x38;
	[tilespmem:$0x1F800] =	vst v63  }
0x97: {  	s16 =	rddreg [dreg:$0xa]  }
0x98: {  	[tilespmem:s24], [sflag:$0x3] =	stream.linear.gather [hbm4b:s16+s14], $0x1400, $0x38;
	[tilespmem:$0x1F800] =	vst v63  }
0x99: {  	_ = 	snop  }
0x9a: {  	[tilespmem:s25], [sflag:$0x1] =	stream.indirect.gather [hbm4b:s4+s31], $0x80, s29, s31, $0xb8;
	[tilespmem:$0x1F800] =	vst v63  }
0x9b: {  	_ =	swait.ge [sflag:s0], $0x3200  }
0x9c: {  	[sflag:s0] =	ssyncset.done $0x0  }
0x9d: {  	s15 =	simm.s32 $0x1480;
	[sflag:s0] =	ssyncadd.s32 $0xFFFFCE00  }
0x9e: {  	[tilespmem:s1], [sflag:$0x2] =	stream.indirect.gather [hbm4b:s4+s31], $0x80, s15, s31, $0xb8;
	[tilespmem:$0x1F800] =	vst v63  }
0x9f: {  	s16 =	simm.s32 $0x3C00  }
0xa0: {  	[spmem:s2] =	stream.indirect.scatter.add.f32 [tilespmem:s25], [sflag:$0x5], $0x80, s16, s31, $0xb8;
	[tilespmem:$0x1F800] =	vst v63  }
0xa1: {  	_ =	swait.ge [sflag:s26], $0x3200  }
0xa2: {  	[sflag:s26] =	ssyncset.done $0x0  }
0xa3: {  	[sflag:s26] =	ssyncadd.s32 $0xFFFFCE00  }
0xa4: {  	_ =	swait.ge [sflag:s3], $0x3200  }
0xa5: {  	[sflag:s3] =	ssyncset.done $0x0  }
0xa6: {  	s15 =	simm.s32 $0x1500;
	[sflag:s3] =	ssyncadd.s32 $0xFFFFCE00  }
0xa7: {  	[tilespmem:s25], [sflag:$0x1] =	stream.indirect.gather [hbm4b:s4+s31], $0x80, s15, s31, $0xb8;
	[tilespmem:$0x1F800] =	vst v63  }
0xa8: {  	s16 =	simm.s32 $0x3C80  }
0xa9: {  	[spmem:s2] =	stream.indirect.scatter.add.f32 [tilespmem:s1], [sflag:$0x5], $0x80, s16, s31, $0xb8;
	[tilespmem:$0x1F800] =	vst v63  }
0xaa: {  	_ =	swait.ge [sflag:s26], $0x3200  }
0xab: {  	s14 =	simm.s32 $0x400;
	[sflag:s26] =	ssyncset.done $0x0  }
.LBB2_6:
0xac: {  	p0 =	sne.s32 s14, $0x4800  }
0xad: {  	[sflag:s26] =	ssyncadd.s32 $0xFFFFCE00;
	s15 =	smov.u32 s14;
	s14 =	sadd.s32 $0x400, s14  }
0xae: {  	_ = 	snop  }
0xaf: {  	_ =	swait.ge [sflag:s0], $0x3200  }
0xb0: {  	s15 =	sshra.s32 s15, $0x2;
	[sflag:s0] =	ssyncset.done $0x0  }
0xb1: {  	s16 =	sadd.s32 $0x1480, s15;
	[sflag:s0] =	ssyncadd.s32 $0xFFFFCE00  }
0xb2: {  	[tilespmem:s1], [sflag:$0x2] =	stream.indirect.gather [hbm4b:s4+s31], $0x80, s16, s31, $0xb8;
	[tilespmem:$0x1F800] =	vst v63  }
0xb3: {  	s16 =	sadd.s32 $0x3C00, s15  }
0xb4: {  	[spmem:s2] =	stream.indirect.scatter.add.f32 [tilespmem:s25], [sflag:$0x5], $0x80, s16, s31, $0xb8;
	[tilespmem:$0x1F800] =	vst v63  }
0xb5: {  	_ =	swait.ge [sflag:s26], $0x3200  }
0xb6: {  	[sflag:s26] =	ssyncset.done $0x0  }
0xb7: {  	[sflag:s26] =	ssyncadd.s32 $0xFFFFCE00  }
0xb8: {  	_ =	swait.ge [sflag:s3], $0x3200  }
0xb9: {  	[sflag:s3] =	ssyncset.done $0x0  }
0xba: {  	s16 =	sadd.s32 $0x1500, s15;
	[sflag:s3] =	ssyncadd.s32 $0xFFFFCE00  }
0xbb: {  	[tilespmem:s25], [sflag:$0x1] =	stream.indirect.gather [hbm4b:s4+s31], $0x80, s16, s31, $0xb8;
	[tilespmem:$0x1F800] =	vst v63  }
.Ltmp2:
0xbc: {  	_ = 	snop;
	(pc) =	sbr.rel @p0 .LBB2_6-.Ltmp2, $4  }
0xbd: {  	s15 =	sadd.s32 $0x3C80, s15  }
0xbe: {  	[spmem:s2] =	stream.indirect.scatter.add.f32 [tilespmem:s1], [sflag:$0x5], $0x80, s15, s31, $0xb8;
	[tilespmem:$0x1F800] =	vst v63  }
0xbf: {  	_ =	swait.ge [sflag:s26], $0x3200  }
0xc0: {  	[sflag:s26] =	ssyncset.done $0x0  }
0xc1: {  	[sflag:s26] =	ssyncadd.s32 $0xFFFFCE00  }
0xc2: {  	_ =	swait.ge [sflag:s0], $0x3200  }
0xc3: {  	[sflag:s0] =	ssyncset.done $0x0  }
0xc4: {  	[sflag:s0] =	ssyncadd.s32 $0xFFFFCE00  }
0xc5: {  	[tilespmem:s1], [sflag:$0x2] =	stream.indirect.gather [hbm4b:s4+s31], $0x80, s10, s31, $0xb8;
	[tilespmem:$0x1F800] =	vst v63  }
0xc6: {  	_ = 	snop  }
0xc7: {  	[spmem:s2] =	stream.indirect.scatter.add.f32 [tilespmem:s25], [sflag:$0x5], $0x80, s11, s31, $0xb8;
	[tilespmem:$0x1F800] =	vst v63  }
0xc8: {  	_ =	swait.ge [sflag:s26], $0x3200  }
0xc9: {  	[sflag:s26] =	ssyncset.done $0x0  }
0xca: {  	[sflag:s26] =	ssyncadd.s32 $0xFFFFCE00  }
0xcb: {  	_ =	swait.ge [sflag:s3], $0x3200  }
0xcc: {  	[sflag:s3] =	ssyncset.done $0x0  }
0xcd: {  	[sflag:s3] =	ssyncadd.s32 $0xFFFFCE00  }
0xce: {  	[spmem:s2] =	stream.indirect.scatter.add.f32 [tilespmem:s1], [sflag:$0x5], $0x80, s12, s31, $0xb8;
	[tilespmem:$0x1F800] =	vst v63  }
0xcf: {  	_ =	swait.ge [sflag:s26], $0x3200  }
0xd0: {  	[sflag:s26] =	ssyncset.done $0x0  }
0xd1: {  	[sflag:s26] =	ssyncadd.s32 $0xFFFFCE00  }
0xd2: {  	_ =	swait.ge [sflag:s28], $0x1400  }
0xd3: {  	[sflag:s28] =	ssyncset.done $0x0  }
0xd4: {  	[sflag:s28] =	ssyncadd.s32 $0xFFFFEC00  }
0xd5: {  	_ =	swait.ge [sflag:s28], $0x1400  }
0xd6: {  	[sflag:s28] =	ssyncset.done $0x0  }
0xd7: {  	s14 =	simm.s32 $0x0;
	s15 =	rddreg [dreg:$0xb];
	[sflag:s28] =	ssyncadd.s32 $0xFFFFEC00  }
0xd8: {  	[tilespmem:s29], [sflag:$0x4] =	stream.linear.gather [hbm4b:s15+s14], $0x1400, $0x38;
	[tilespmem:$0x1F800] =	vst v63  }
0xd9: {  	s16 =	rddreg [dreg:$0xc]  }
0xda: {  	[tilespmem:s30], [sflag:$0x4] =	stream.linear.gather [hbm4b:s16+s14], $0x1400, $0x38;
	[tilespmem:$0x1F800] =	vst v63  }
0xdb: {  	_ = 	snop  }
0xdc: {  	[tilespmem:s25], [sflag:$0x1] =	stream.indirect.gather [hbm4b:s4+s31], $0x80, s14, s31, $0xb8;
	[tilespmem:$0x1F800] =	vst v63  }
0xdd: {  	_ =	swait.ge [sflag:s0], $0x3200  }
0xde: {  	[sflag:s0] =	ssyncset.done $0x0  }
0xdf: {  	s15 =	simm.s32 $0x80;
	[sflag:s0] =	ssyncadd.s32 $0xFFFFCE00  }
0xe0: {  	[tilespmem:s1], [sflag:$0x2] =	stream.indirect.gather [hbm4b:s4+s31], $0x80, s15, s31, $0xb8;
	[tilespmem:$0x1F800] =	vst v63  }
0xe1: {  	s16 =	simm.s32 $0x2800  }
0xe2: {  	[spmem:s2] =	stream.indirect.scatter.add.f32 [tilespmem:s25], [sflag:$0x5], $0x80, s16, s31, $0xb8;
	[tilespmem:$0x1F800] =	vst v63  }
0xe3: {  	_ =	swait.ge [sflag:s26], $0x3200  }
0xe4: {  	[sflag:s26] =	ssyncset.done $0x0  }
0xe5: {  	[sflag:s26] =	ssyncadd.s32 $0xFFFFCE00  }
0xe6: {  	_ =	swait.ge [sflag:s3], $0x3200  }
0xe7: {  	[sflag:s3] =	ssyncset.done $0x0  }
0xe8: {  	s15 =	simm.s32 $0x100;
	[sflag:s3] =	ssyncadd.s32 $0xFFFFCE00  }
0xe9: {  	[tilespmem:s25], [sflag:$0x1] =	stream.indirect.gather [hbm4b:s4+s31], $0x80, s15, s31, $0xb8;
	[tilespmem:$0x1F800] =	vst v63  }
0xea: {  	s16 =	simm.s32 $0x2880  }
0xeb: {  	[spmem:s2] =	stream.indirect.scatter.add.f32 [tilespmem:s1], [sflag:$0x5], $0x80, s16, s31, $0xb8;
	[tilespmem:$0x1F800] =	vst v63  }
0xec: {  	_ =	swait.ge [sflag:s26], $0x3200  }
0xed: {  	s14 =	simm.s32 $0x400;
	[sflag:s26] =	ssyncset.done $0x0  }
.LBB2_8:
0xee: {  	p0 =	sne.s32 s14, $0x4800  }
0xef: {  	[sflag:s26] =	ssyncadd.s32 $0xFFFFCE00;
	s15 =	smov.u32 s14;
	s14 =	sadd.s32 $0x400, s14  }
0xf0: {  	_ = 	snop  }
0xf1: {  	_ =	swait.ge [sflag:s0], $0x3200  }
0xf2: {  	s15 =	sshra.s32 s15, $0x2;
	[sflag:s0] =	ssyncset.done $0x0  }
0xf3: {  	s16 =	sadd.s32 $0x80, s15;
	[sflag:s0] =	ssyncadd.s32 $0xFFFFCE00  }
0xf4: {  	[tilespmem:s1], [sflag:$0x2] =	stream.indirect.gather [hbm4b:s4+s31], $0x80, s16, s31, $0xb8;
	[tilespmem:$0x1F800] =	vst v63  }
0xf5: {  	s16 =	sadd.s32 $0x2800, s15  }
0xf6: {  	[spmem:s2] =	stream.indirect.scatter.add.f32 [tilespmem:s25], [sflag:$0x5], $0x80, s16, s31, $0xb8;
	[tilespmem:$0x1F800] =	vst v63  }
0xf7: {  	_ =	swait.ge [sflag:s26], $0x3200  }
0xf8: {  	[sflag:s26] =	ssyncset.done $0x0  }
0xf9: {  	[sflag:s26] =	ssyncadd.s32 $0xFFFFCE00  }
0xfa: {  	_ =	swait.ge [sflag:s3], $0x3200  }
0xfb: {  	[sflag:s3] =	ssyncset.done $0x0  }
0xfc: {  	s16 =	sadd.s32 $0x100, s15;
	[sflag:s3] =	ssyncadd.s32 $0xFFFFCE00  }
0xfd: {  	[tilespmem:s25], [sflag:$0x1] =	stream.indirect.gather [hbm4b:s4+s31], $0x80, s16, s31, $0xb8;
	[tilespmem:$0x1F800] =	vst v63  }
.Ltmp3:
0xfe: {  	_ = 	snop;
	(pc) =	sbr.rel @p0 .LBB2_8-.Ltmp3, $4  }
0xff: {  	s15 =	sadd.s32 $0x2880, s15  }
0x100: {  	[spmem:s2] =	stream.indirect.scatter.add.f32 [tilespmem:s1], [sflag:$0x5], $0x80, s15, s31, $0xb8;
	[tilespmem:$0x1F800] =	vst v63  }
0x101: {  	_ =	swait.ge [sflag:s26], $0x3200  }
0x102: {  	[sflag:s26] =	ssyncset.done $0x0  }
0x103: {  	[sflag:s26] =	ssyncadd.s32 $0xFFFFCE00  }
0x104: {  	_ =	swait.ge [sflag:s0], $0x3200  }
0x105: {  	[sflag:s0] =	ssyncset.done $0x0  }
0x106: {  	[sflag:s0] =	ssyncadd.s32 $0xFFFFCE00  }
0x107: {  	[tilespmem:s1], [sflag:$0x2] =	stream.indirect.gather [hbm4b:s4+s31], $0x80, s5, s31, $0xb8;
	[tilespmem:$0x1F800] =	vst v63  }
0x108: {  	_ = 	snop  }
0x109: {  	[spmem:s2] =	stream.indirect.scatter.add.f32 [tilespmem:s25], [sflag:$0x5], $0x80, s6, s31, $0xb8;
	[tilespmem:$0x1F800] =	vst v63  }
0x10a: {  	_ =	swait.ge [sflag:s26], $0x3200  }
0x10b: {  	[sflag:s26] =	ssyncset.done $0x0  }
0x10c: {  	[sflag:s26] =	ssyncadd.s32 $0xFFFFCE00  }
0x10d: {  	_ =	swait.ge [sflag:s3], $0x3200  }
0x10e: {  	[sflag:s3] =	ssyncset.done $0x0  }
0x10f: {  	[sflag:s3] =	ssyncadd.s32 $0xFFFFCE00  }
0x110: {  	[spmem:s2] =	stream.indirect.scatter.add.f32 [tilespmem:s1], [sflag:$0x5], $0x80, s8, s31, $0xb8;
	[tilespmem:$0x1F800] =	vst v63  }
0x111: {  	_ =	swait.ge [sflag:s26], $0x3200  }
0x112: {  	[sflag:s26] =	ssyncset.done $0x0  }
0x113: {  	[sflag:s26] =	ssyncadd.s32 $0xFFFFCE00  }
0x114: {  	_ =	swait.ge [sflag:s9], $0x1400  }
0x115: {  	[sflag:s9] =	ssyncset.done $0x0  }
0x116: {  	[sflag:s9] =	ssyncadd.s32 $0xFFFFEC00  }
0x117: {  	_ =	swait.ge [sflag:s9], $0x1400  }
0x118: {  	[sflag:s9] =	ssyncset.done $0x0  }
0x119: {  	s14 =	simm.s32 $0x0;
	s15 =	rddreg [dreg:$0xd];
	[sflag:s9] =	ssyncadd.s32 $0xFFFFEC00  }
0x11a: {  	[tilespmem:s14], [sflag:$0x3] =	stream.linear.gather [hbm4b:s15+s14], $0x1400, $0x38;
	[tilespmem:$0x1F800] =	vst v63  }
0x11b: {  	s16 =	rddreg [dreg:$0xe]  }
0x11c: {  	[tilespmem:s24], [sflag:$0x3] =	stream.linear.gather [hbm4b:s16+s14], $0x1400, $0x38;
	[tilespmem:$0x1F800] =	vst v63  }
0x11d: {  	_ = 	snop  }
0x11e: {  	[tilespmem:s25], [sflag:$0x1] =	stream.indirect.gather [hbm4b:s4+s31], $0x80, s29, s31, $0xb8;
	[tilespmem:$0x1F800] =	vst v63  }
0x11f: {  	_ =	swait.ge [sflag:s0], $0x3200  }
0x120: {  	[sflag:s0] =	ssyncset.done $0x0  }
0x121: {  	s15 =	simm.s32 $0x1480;
	[sflag:s0] =	ssyncadd.s32 $0xFFFFCE00  }
0x122: {  	[tilespmem:s1], [sflag:$0x2] =	stream.indirect.gather [hbm4b:s4+s31], $0x80, s15, s31, $0xb8;
	[tilespmem:$0x1F800] =	vst v63  }
0x123: {  	s16 =	simm.s32 $0x3C00  }
0x124: {  	[spmem:s2] =	stream.indirect.scatter.add.f32 [tilespmem:s25], [sflag:$0x5], $0x80, s16, s31, $0xb8;
	[tilespmem:$0x1F800] =	vst v63  }
0x125: {  	_ =	swait.ge [sflag:s26], $0x3200  }
0x126: {  	[sflag:s26] =	ssyncset.done $0x0  }
0x127: {  	[sflag:s26] =	ssyncadd.s32 $0xFFFFCE00  }
0x128: {  	_ =	swait.ge [sflag:s3], $0x3200  }
0x129: {  	[sflag:s3] =	ssyncset.done $0x0  }
0x12a: {  	s15 =	simm.s32 $0x1500;
	[sflag:s3] =	ssyncadd.s32 $0xFFFFCE00  }
0x12b: {  	[tilespmem:s25], [sflag:$0x1] =	stream.indirect.gather [hbm4b:s4+s31], $0x80, s15, s31, $0xb8;
	[tilespmem:$0x1F800] =	vst v63  }
0x12c: {  	s16 =	simm.s32 $0x3C80  }
0x12d: {  	[spmem:s2] =	stream.indirect.scatter.add.f32 [tilespmem:s1], [sflag:$0x5], $0x80, s16, s31, $0xb8;
	[tilespmem:$0x1F800] =	vst v63  }
0x12e: {  	_ =	swait.ge [sflag:s26], $0x3200  }
0x12f: {  	s14 =	simm.s32 $0x400;
	[sflag:s26] =	ssyncset.done $0x0  }
.LBB2_10:
0x130: {  	p0 =	sne.s32 s14, $0x4800  }
0x131: {  	[sflag:s26] =	ssyncadd.s32 $0xFFFFCE00;
	s15 =	smov.u32 s14;
	s14 =	sadd.s32 $0x400, s14  }
0x132: {  	_ = 	snop  }
0x133: {  	_ =	swait.ge [sflag:s0], $0x3200  }
0x134: {  	s15 =	sshra.s32 s15, $0x2;
	[sflag:s0] =	ssyncset.done $0x0  }
0x135: {  	s16 =	sadd.s32 $0x1480, s15;
	[sflag:s0] =	ssyncadd.s32 $0xFFFFCE00  }
0x136: {  	[tilespmem:s1], [sflag:$0x2] =	stream.indirect.gather [hbm4b:s4+s31], $0x80, s16, s31, $0xb8;
	[tilespmem:$0x1F800] =	vst v63  }
0x137: {  	s16 =	sadd.s32 $0x3C00, s15  }
0x138: {  	[spmem:s2] =	stream.indirect.scatter.add.f32 [tilespmem:s25], [sflag:$0x5], $0x80, s16, s31, $0xb8;
	[tilespmem:$0x1F800] =	vst v63  }
0x139: {  	_ =	swait.ge [sflag:s26], $0x3200  }
0x13a: {  	[sflag:s26] =	ssyncset.done $0x0  }
0x13b: {  	[sflag:s26] =	ssyncadd.s32 $0xFFFFCE00  }
0x13c: {  	_ =	swait.ge [sflag:s3], $0x3200  }
0x13d: {  	[sflag:s3] =	ssyncset.done $0x0  }
0x13e: {  	s16 =	sadd.s32 $0x1500, s15;
	[sflag:s3] =	ssyncadd.s32 $0xFFFFCE00  }
0x13f: {  	[tilespmem:s25], [sflag:$0x1] =	stream.indirect.gather [hbm4b:s4+s31], $0x80, s16, s31, $0xb8;
	[tilespmem:$0x1F800] =	vst v63  }
.Ltmp4:
0x140: {  	_ = 	snop;
	(pc) =	sbr.rel @p0 .LBB2_10-.Ltmp4, $4  }
0x141: {  	s15 =	sadd.s32 $0x3C80, s15  }
0x142: {  	[spmem:s2] =	stream.indirect.scatter.add.f32 [tilespmem:s1], [sflag:$0x5], $0x80, s15, s31, $0xb8;
	[tilespmem:$0x1F800] =	vst v63  }
0x143: {  	_ =	swait.ge [sflag:s26], $0x3200  }
0x144: {  	[sflag:s26] =	ssyncset.done $0x0  }
0x145: {  	[sflag:s26] =	ssyncadd.s32 $0xFFFFCE00  }
0x146: {  	_ =	swait.ge [sflag:s0], $0x3200  }
0x147: {  	[sflag:s0] =	ssyncset.done $0x0  }
0x148: {  	[sflag:s0] =	ssyncadd.s32 $0xFFFFCE00  }
0x149: {  	[tilespmem:s1], [sflag:$0x2] =	stream.indirect.gather [hbm4b:s4+s31], $0x80, s10, s31, $0xb8;
	[tilespmem:$0x1F800] =	vst v63  }
0x14a: {  	_ = 	snop  }
0x14b: {  	[spmem:s2] =	stream.indirect.scatter.add.f32 [tilespmem:s25], [sflag:$0x5], $0x80, s11, s31, $0xb8;
	[tilespmem:$0x1F800] =	vst v63  }
0x14c: {  	_ =	swait.ge [sflag:s26], $0x3200  }
0x14d: {  	[sflag:s26] =	ssyncset.done $0x0  }
0x14e: {  	[sflag:s26] =	ssyncadd.s32 $0xFFFFCE00  }
0x14f: {  	_ =	swait.ge [sflag:s3], $0x3200  }
0x150: {  	[sflag:s3] =	ssyncset.done $0x0  }
0x151: {  	[sflag:s3] =	ssyncadd.s32 $0xFFFFCE00  }
0x152: {  	[spmem:s2] =	stream.indirect.scatter.add.f32 [tilespmem:s1], [sflag:$0x5], $0x80, s12, s31, $0xb8;
	[tilespmem:$0x1F800] =	vst v63  }
0x153: {  	_ =	swait.ge [sflag:s26], $0x3200  }
0x154: {  	[sflag:s26] =	ssyncset.done $0x0  }
0x155: {  	[sflag:s26] =	ssyncadd.s32 $0xFFFFCE00  }
0x156: {  	_ =	swait.ge [sflag:s28], $0x1400  }
0x157: {  	[sflag:s28] =	ssyncset.done $0x0  }
0x158: {  	[sflag:s28] =	ssyncadd.s32 $0xFFFFEC00  }
0x159: {  	_ =	swait.ge [sflag:s28], $0x1400  }
0x15a: {  	[sflag:s28] =	ssyncset.done $0x0  }
0x15b: {  	s14 =	simm.s32 $0x0;
	[sflag:s28] =	ssyncadd.s32 $0xFFFFEC00  }
0x15c: {  	[tilespmem:s25], [sflag:$0x1] =	stream.indirect.gather [hbm4b:s4+s31], $0x80, s14, s31, $0xb8;
	[tilespmem:$0x1F800] =	vst v63  }
0x15d: {  	_ =	swait.ge [sflag:s0], $0x3200  }
0x15e: {  	[sflag:s0] =	ssyncset.done $0x0  }
0x15f: {  	s15 =	simm.s32 $0x80;
	[sflag:s0] =	ssyncadd.s32 $0xFFFFCE00  }
0x160: {  	[tilespmem:s1], [sflag:$0x2] =	stream.indirect.gather [hbm4b:s4+s31], $0x80, s15, s31, $0xb8;
	[tilespmem:$0x1F800] =	vst v63  }
0x161: {  	s16 =	simm.s32 $0x2800  }
0x162: {  	[spmem:s2] =	stream.indirect.scatter.add.f32 [tilespmem:s25], [sflag:$0x5], $0x80, s16, s31, $0xb8;
	[tilespmem:$0x1F800] =	vst v63  }
0x163: {  	_ =	swait.ge [sflag:s26], $0x3200  }
0x164: {  	[sflag:s26] =	ssyncset.done $0x0  }
0x165: {  	[sflag:s26] =	ssyncadd.s32 $0xFFFFCE00  }
0x166: {  	_ =	swait.ge [sflag:s3], $0x3200  }
0x167: {  	[sflag:s3] =	ssyncset.done $0x0  }
0x168: {  	s15 =	simm.s32 $0x100;
	[sflag:s3] =	ssyncadd.s32 $0xFFFFCE00  }
0x169: {  	[tilespmem:s25], [sflag:$0x1] =	stream.indirect.gather [hbm4b:s4+s31], $0x80, s15, s31, $0xb8;
	[tilespmem:$0x1F800] =	vst v63  }
0x16a: {  	s16 =	simm.s32 $0x2880  }
0x16b: {  	[spmem:s2] =	stream.indirect.scatter.add.f32 [tilespmem:s1], [sflag:$0x5], $0x80, s16, s31, $0xb8;
	[tilespmem:$0x1F800] =	vst v63  }
0x16c: {  	_ =	swait.ge [sflag:s26], $0x3200  }
0x16d: {  	s14 =	simm.s32 $0x400;
	[sflag:s26] =	ssyncset.done $0x0  }
.LBB2_12:
0x16e: {  	p0 =	sne.s32 s14, $0x4800  }
0x16f: {  	[sflag:s26] =	ssyncadd.s32 $0xFFFFCE00;
	s15 =	smov.u32 s14;
	s14 =	sadd.s32 $0x400, s14  }
0x170: {  	_ = 	snop  }
0x171: {  	_ =	swait.ge [sflag:s0], $0x3200  }
0x172: {  	s15 =	sshra.s32 s15, $0x2;
	[sflag:s0] =	ssyncset.done $0x0  }
0x173: {  	s16 =	sadd.s32 $0x80, s15;
	[sflag:s0] =	ssyncadd.s32 $0xFFFFCE00  }
0x174: {  	[tilespmem:s1], [sflag:$0x2] =	stream.indirect.gather [hbm4b:s4+s31], $0x80, s16, s31, $0xb8;
	[tilespmem:$0x1F800] =	vst v63  }
0x175: {  	s16 =	sadd.s32 $0x2800, s15  }
0x176: {  	[spmem:s2] =	stream.indirect.scatter.add.f32 [tilespmem:s25], [sflag:$0x5], $0x80, s16, s31, $0xb8;
	[tilespmem:$0x1F800] =	vst v63  }
0x177: {  	_ =	swait.ge [sflag:s26], $0x3200  }
0x178: {  	[sflag:s26] =	ssyncset.done $0x0  }
0x179: {  	[sflag:s26] =	ssyncadd.s32 $0xFFFFCE00  }
0x17a: {  	_ =	swait.ge [sflag:s3], $0x3200  }
0x17b: {  	[sflag:s3] =	ssyncset.done $0x0  }
0x17c: {  	s16 =	sadd.s32 $0x100, s15;
	[sflag:s3] =	ssyncadd.s32 $0xFFFFCE00  }
0x17d: {  	[tilespmem:s25], [sflag:$0x1] =	stream.indirect.gather [hbm4b:s4+s31], $0x80, s16, s31, $0xb8;
	[tilespmem:$0x1F800] =	vst v63  }
.Ltmp5:
0x17e: {  	_ = 	snop;
	(pc) =	sbr.rel @p0 .LBB2_12-.Ltmp5, $4  }
0x17f: {  	s15 =	sadd.s32 $0x2880, s15  }
0x180: {  	[spmem:s2] =	stream.indirect.scatter.add.f32 [tilespmem:s1], [sflag:$0x5], $0x80, s15, s31, $0xb8;
	[tilespmem:$0x1F800] =	vst v63  }
0x181: {  	_ =	swait.ge [sflag:s26], $0x3200  }
0x182: {  	[sflag:s26] =	ssyncset.done $0x0  }
0x183: {  	[sflag:s26] =	ssyncadd.s32 $0xFFFFCE00  }
0x184: {  	_ =	swait.ge [sflag:s0], $0x3200  }
0x185: {  	[sflag:s0] =	ssyncset.done $0x0  }
0x186: {  	[sflag:s0] =	ssyncadd.s32 $0xFFFFCE00  }
0x187: {  	[tilespmem:s1], [sflag:$0x2] =	stream.indirect.gather [hbm4b:s4+s31], $0x80, s5, s31, $0xb8;
	[tilespmem:$0x1F800] =	vst v63  }
0x188: {  	_ = 	snop  }
0x189: {  	[spmem:s2] =	stream.indirect.scatter.add.f32 [tilespmem:s25], [sflag:$0x5], $0x80, s6, s31, $0xb8;
	[tilespmem:$0x1F800] =	vst v63  }
0x18a: {  	_ =	swait.ge [sflag:s26], $0x3200  }
0x18b: {  	[sflag:s26] =	ssyncset.done $0x0  }
0x18c: {  	[sflag:s26] =	ssyncadd.s32 $0xFFFFCE00  }
0x18d: {  	_ =	swait.ge [sflag:s3], $0x3200  }
0x18e: {  	[sflag:s3] =	ssyncset.done $0x0  }
0x18f: {  	[sflag:s3] =	ssyncadd.s32 $0xFFFFCE00  }
0x190: {  	[spmem:s2] =	stream.indirect.scatter.add.f32 [tilespmem:s1], [sflag:$0x5], $0x80, s8, s31, $0xb8;
	[tilespmem:$0x1F800] =	vst v63  }
0x191: {  	s14 =	stileid.u32;
	_ =	swait.ge [sflag:s26], $0x3200  }
0x192: {  	s15 =	sshrl.u32 s7, $0x3;
	s13 =	sadd.s32 $0x1, s13;
	[sflag:s26] =	ssyncset.done $0x0  }
0x193: {  	s14 =	sshll.u32 s14, $0x6;
	p0 =	sne.s32 s13, s18;
	[sflag:s26] =	ssyncadd.s32 $0xFFFFCE00  }
.Ltmp6:
0x194: {  	s14 =	sor.u32 $0x1C05, s14;
	[bflag:$0x0] =	sbarrier.arrive $0xFFFF;
	(pc) =	sbr.rel @p0 .LBB2_1-.Ltmp6, $4  }
0x195: {  	[hbm:s17], [sflag:s14] =	dma.local [spmem:s15], $0x2800  }
0x196: {  	_ =	swait.ge [sflag:s26], $0x2800  }
0x197: {  	[sflag:s26] =	ssyncset.done $0x0  }
0x198: {  	[sflag:s26] =	ssyncadd.s32 $0xFFFFD800  }
0x199: {  	_ =	sfence.sel $0x180000  }
0x19a: {  	[bflag:$0x0] =	sbarrier.arrive $0xFFFF  }
0x19b: {  	_ =	strace $0x90000047  }
0x19c: {  	s0 =	stileid.u32;
	[bflag:$0x2] =	sbarrier.arrive $0xFFFF  }
0x19d: {  	p0 =	sne.s32 s0, $0x0;
	s0 =	rddreg [dreg:$0x3]  }
0x19e: {  	s0 =	sadd.s32 @!p0 $0x100000, s0  }
0x19f: {  	[sflag:s0] =	ssyncadd.tile.s32 @!p0 $0x1;
	_ =	shalt  }
.Lfunc_end2:
_tile_overlayer_lowered:
.L_overlay_start_2:
0x1a0: {  	(tag) =	ssettag $0x2  }
0x1a1: {  	s0 =	rddreg [dreg:$0x0];
	s2 =	stileid.u32  }
0x1a2: {  	s1 =	rddreg [dreg:$0x1];
	p0 =	sne.s32 s2, $0x0  }
0x1a3: {  	s3 =	rddreg [dreg:$0x2];
	[bflag:$0x3] =	sbarrier.arrive $0xFFFF;
	s2 =	simm.s32 @!p0 $0x1C05  }
0x1a4: {  	[timem:s3], [sflag:s2] =	dma.local @!p0 [hbm:s0], s1  }
0x1a5: {  	s0 =	simm.s32 @!p0 $0x5  }
0x1a6: {  	_ =	swait.ge @!p0 [sflag:s0], s1  }
0x1a7: {  	s1 =	ssub.s32 @!p0 $0x0, s1;
	[sflag:s0] =	ssyncset.done @!p0 $0x0  }
0x1a8: {  	[sflag:s0] =	ssyncadd.s32 @!p0 s1  }
0x1a9: {  	[bflag:$0x3] =	sbarrier.arrive $0xFFFF  }
0x1aa: {  	_ =	shalt  }

</sc_bundles>
